<compile_context>
chip_gen: v7x
topology: tpu7x:2x2x1
jax: 0.10.2.dev20260603
libtpu: 0.0.44.dev20260713+nightly
codegen_flags: <defaults>
</compile_context>

<pallas_src>
import functools

import jax
import jax.numpy as jnp
from jax.experimental import pallas as pl
from jax.experimental.pallas import tpu as pltpu
from jax.experimental.pallas import tpu_sc as plsc

B, S, V, H = 64, 512, 30522, 768
N_TOK = B * S
TWOD = 1024
LN_EPS = 1e-12

NC, NS = 2, 16
NW = NC * NS
NCHUNK = 1
CB = N_TOK // NCHUNK
B_PER_W = CB // NW
CH = 64
NCH = B_PER_W // CH
TB = 1024


def _sc_word_gather(weight, ids1d):

    @functools.partial(
        pl.kernel,
        out_type=jax.ShapeDtypeStruct((CB, H), weight.dtype),
        mesh=plsc.VectorSubcoreMesh(
            core_axis_name="c", subcore_axis_name="s", num_cores=NC,
            num_subcores=NS),
        scratch_types=[
            pltpu.VMEM((B_PER_W,), jnp.int32),
            pltpu.VMEM((CH, H), jnp.float32),
            pltpu.VMEM((CH, H), jnp.float32),
            pltpu.SemaphoreType.DMA,
            pltpu.SemaphoreType.DMA,
            pltpu.SemaphoreType.DMA,
            pltpu.SemaphoreType.DMA,
        ],
    )
    def gather_kernel(w_hbm, i_hbm, o_hbm, idx_v, rows0, rows1,
                      gsem0, gsem1, osem0, osem1):
        wid = jax.lax.axis_index("s") * NC + jax.lax.axis_index("c")
        base = wid * B_PER_W
        pltpu.sync_copy(i_hbm.at[pl.ds(base, B_PER_W)], idx_v)

        def g_src(i):
            return w_hbm.at[idx_v.at[pl.ds(i * CH, CH)]]

        def o_dst(i):
            return o_hbm.at[pl.ds(base + i * CH, CH)]

        pltpu.async_copy(g_src(0), rows0, gsem0)
        pltpu.async_copy(g_src(1), rows1, gsem1)

        @pl.loop(0, NCH, step=2)
        def _(i):
            pltpu.make_async_copy(g_src(i), rows0, gsem0).wait()
            pltpu.async_copy(rows0, o_dst(i), osem0)
            pltpu.make_async_copy(g_src(i + 1), rows1, gsem1).wait()
            pltpu.async_copy(rows1, o_dst(i + 1), osem1)
            pltpu.make_async_copy(rows0, o_dst(i), osem0).wait()

            @pl.when(i + 2 < NCH)
            def _():
                pltpu.async_copy(g_src(i + 2), rows0, gsem0)

            pltpu.make_async_copy(rows1, o_dst(i + 1), osem1).wait()

            @pl.when(i + 3 < NCH)
            def _():
                pltpu.async_copy(g_src(i + 3), rows1, gsem1)

    return gather_kernel(weight, ids1d)


NSPLIT = 4
SB = TB // NSPLIT


def _tc_body(bbox_ref, g_ref, tab_ref, p_ref, t_ref, gam_ref, bet_ref, o_ref):
    for k in range(NSPLIT):
        sl = pl.ds(k * SB, SB)
        bb = bbox_ref[sl, :]
        left = bb[:, 0:1]
        upper = bb[:, 1:2]
        right = bb[:, 2:3]
        lower = bb[:, 3:4]
        iota = jax.lax.broadcasted_iota(jnp.int32, (SB, TWOD), 1)

        def onehot(idx):
            return (iota == idx).astype(jnp.bfloat16)

        cc = jnp.concatenate([
            onehot(left) + onehot(right),
            onehot(upper) + onehot(lower),
            onehot(lower - upper),
            onehot(right - left),
        ], axis=1)

        psl = pl.ds((k * SB) % S, SB)
        acc = g_ref[sl, :] + p_ref[psl, :] + t_ref[0:1, :]
        acc = acc + jnp.dot(cc, tab_ref[...],
                            preferred_element_type=jnp.float32)

        mean = jnp.mean(acc, axis=1, keepdims=True)
        cen = acc - mean
        var = jnp.mean(cen * cen, axis=1, keepdims=True)
        o_ref[sl, :] = ((cen * jax.lax.rsqrt(var + LN_EPS)) * gam_ref[...]
                        + bet_ref[...])


def _tc_combine(bbox2, gathered, tab4, pe, tte, gam2, bet2):
    return pl.pallas_call(
        _tc_body,
        grid=(CB // TB,),
        in_specs=[
            pl.BlockSpec((TB, 4), lambda i: (i, 0)),
            pl.BlockSpec((TB, H), lambda i: (i, 0)),
            pl.BlockSpec((4 * TWOD, H), lambda i: (0, 0)),
            pl.BlockSpec((S, H), lambda i: (0, 0)),
            pl.BlockSpec((2, H), lambda i: (0, 0)),
            pl.BlockSpec((1, H), lambda i: (0, 0)),
            pl.BlockSpec((1, H), lambda i: (0, 0)),
        ],
        out_specs=pl.BlockSpec((TB, H), lambda i: (i, 0)),
        out_shape=jax.ShapeDtypeStruct((CB, H), jnp.float32),
        compiler_params=pltpu.CompilerParams(
            dimension_semantics=("arbitrary",)),
    )(bbox2, gathered, tab4, pe, tte, gam2, bet2)


def kernel(input_ids, bbox, weight, token_type_embeddings,
           position_embeddings, x_position_embeddings, y_position_embeddings,
           h_position_embeddings, w_position_embeddings, ln_gamma, ln_beta):
    ids1d = input_ids.reshape(N_TOK)
    bbox2 = bbox.reshape(N_TOK, 4)
    tab4 = jnp.concatenate([
        x_position_embeddings, y_position_embeddings,
        h_position_embeddings, w_position_embeddings,
    ], axis=0).astype(jnp.bfloat16)
    gam2 = ln_gamma.reshape(1, H)
    bet2 = ln_beta.reshape(1, H)

    gs = [_sc_word_gather(weight, ids1d[c * CB:(c + 1) * CB])
          for c in range(NCHUNK)]
    outs = []
    for c in range(NCHUNK):
        outs.append(_tc_combine(
            bbox2[c * CB:(c + 1) * CB], gs[c], tab4,
            position_embeddings, token_type_embeddings, gam2, bet2))
    return jnp.concatenate(outs, axis=0).reshape(B, S, H)

# --- scband reference (transcript-rebuilt; emitter-appended) ---
"""Pipeline reference for scband-tflayout-lmembeddings-46308337385868 (READ-ONLY COPY).

The authoritative reference and input builder live on the scoring server;
editing this copy changes nothing except your own understanding.
"""

import jax, jax.numpy as jnp
import numpy as np

B, S, V, H = 64, 512, 30522, 768
MAX_POS, MAX_2D, TYPE_V = 512, 1024, 2
LN_EPS = 1e-12


def setup_inputs(seed: int = 0) -> dict:
    key = jax.random.key(seed)
    ks = jax.random.split(key, 12)
    input_ids = jax.random.randint(ks[0], (B, S), 0, V, dtype=jnp.int32)
    bbox = jnp.sort(jax.random.randint(ks[1], (B, S, 4), 0, 1000, dtype=jnp.int32), axis=-1)
    std = 0.02
    weight = jax.random.normal(ks[2], (V, H), dtype=jnp.float32) * std
    token_type_embeddings = jax.random.normal(ks[3], (TYPE_V, H), dtype=jnp.float32) * std
    position_embeddings = jax.random.normal(ks[4], (MAX_POS, H), dtype=jnp.float32) * std
    x_position_embeddings = jax.random.normal(ks[5], (MAX_2D, H), dtype=jnp.float32) * std
    y_position_embeddings = jax.random.normal(ks[6], (MAX_2D, H), dtype=jnp.float32) * std
    h_position_embeddings = jax.random.normal(ks[7], (MAX_2D, H), dtype=jnp.float32) * std
    w_position_embeddings = jax.random.normal(ks[8], (MAX_2D, H), dtype=jnp.float32) * std
    ln_gamma = jnp.ones((H,), dtype=jnp.float32)
    ln_beta = jnp.zeros((H,), dtype=jnp.float32)
    return {
        'input_ids': input_ids,
        'bbox': bbox,
        'weight': weight,
        'token_type_embeddings': token_type_embeddings,
        'position_embeddings': position_embeddings,
        'x_position_embeddings': x_position_embeddings,
        'y_position_embeddings': y_position_embeddings,
        'h_position_embeddings': h_position_embeddings,
        'w_position_embeddings': w_position_embeddings,
        'ln_gamma': ln_gamma,
        'ln_beta': ln_beta,
    }


def reference(input_ids, bbox, weight, token_type_embeddings, position_embeddings,
              x_position_embeddings, y_position_embeddings, h_position_embeddings,
              w_position_embeddings, ln_gamma, ln_beta):
    # word embeddings: gather from vocab table
    inputs_embeds = jnp.take(weight, input_ids, axis=0)
    # token_type_ids default = zeros
    token_type_ids = jnp.zeros_like(input_ids)
    token_type_embeds = jnp.take(token_type_embeddings, token_type_ids, axis=0)
    # position_ids default = arange over seq dim, broadcast over batch
    position_ids = jnp.arange(S, dtype=jnp.int32)[None, :]
    position_embeds = jnp.take(position_embeddings, position_ids, axis=0)
    # 2D layout embeddings
    left_position_embeddings = jnp.take(x_position_embeddings, bbox[:, :, 0], axis=0)
    upper_position_embeddings = jnp.take(y_position_embeddings, bbox[:, :, 1], axis=0)
    right_position_embeddings = jnp.take(x_position_embeddings, bbox[:, :, 2], axis=0)
    lower_position_embeddings = jnp.take(y_position_embeddings, bbox[:, :, 3], axis=0)
    h_pe = jnp.take(h_position_embeddings, bbox[:, :, 3] - bbox[:, :, 1], axis=0)
    w_pe = jnp.take(w_position_embeddings, bbox[:, :, 2] - bbox[:, :, 0], axis=0)
    final = (inputs_embeds + position_embeds + token_type_embeds
             + left_position_embeddings + upper_position_embeddings
             + right_position_embeddings + lower_position_embeddings
             + h_pe + w_pe)
    # LayerNorm over last axis (eps=1e-12)
    mean = jnp.mean(final, axis=-1, keepdims=True)
    var = jnp.mean(jnp.square(final - mean), axis=-1, keepdims=True)
    normed = (final - mean) * jax.lax.rsqrt(var + LN_EPS)
    out = normed * ln_gamma + ln_beta
    # dropout is identity in eval mode (training=False)
    return out

if __name__ == "__main__":
    import jax
    _d = setup_inputs()
    print(jax.jit(kernel)(*tuple(_d.values())))

</pallas_src>

<mosaic_0001>
#map = affine_map<(d0, d1) -> (0, 0)>
#map1 = affine_map<(d0, d1) -> (0)>
module attributes {stable_mosaic.version = 14 : i64} {
  func.func @gather_kernel(%arg0: i32, %arg1: i32, %arg2: memref<30522x768xf32, #tpu.memory_space<hbm>>, %arg3: memref<32768xi32, #tpu.memory_space<hbm>>, %arg4: memref<32768x768xf32, #tpu.memory_space<hbm>>, %arg5: memref<1024xi32, #tpu.memory_space<vmem>>, %arg6: memref<64x768xf32, #tpu.memory_space<vmem>>, %arg7: memref<64x768xf32, #tpu.memory_space<vmem>>, %arg8: memref<!tpu.dma_semaphore, #tpu.memory_space<semaphore_mem>>, %arg9: memref<!tpu.dma_semaphore, #tpu.memory_space<semaphore_mem>>, %arg10: memref<!tpu.dma_semaphore, #tpu.memory_space<semaphore_mem>>, %arg11: memref<!tpu.dma_semaphore, #tpu.memory_space<semaphore_mem>>) attributes {dimension_semantics = [#tpu.dimension_semantics<core_parallel>, #tpu.dimension_semantics<subcore_parallel>], iteration_bounds = array<i64: 2, 16>, scalar_prefetch = 0 : i64, scratch_operands = 7 : i64, tpu.core_type = #tpu.core_type<sc_vector_subcore>, window_params = [{transform_indices = #map}, {transform_indices = #map1}, {transform_indices = #map}]} {
    %mul3A = arith.constant 2 : i32
    %mul3A_0 = arith.muli %arg1, %mul3A : i32
    %add3A = arith.addi %mul3A_0, %arg0 : i32
    %mul3A_1 = arith.constant 1024 : i32
    %mul3A_2 = arith.muli %add3A, %mul3A_1 : i32
    "tpu.region"() ({
      %run_scoped3A = tpu.sem_alloc : memref<!tpu.dma_semaphore, #tpu.memory_space<semaphore_mem>>
      %dma_start3A_16 = tpu.memref_slice %arg3[%mul3A_2] : memref<32768xi32, #tpu.memory_space<hbm>> -> memref<1024xi32, #tpu.memory_space<hbm>>
      %dma_start3A_17 = tpu.memref_slice %arg3[%mul3A_2] : memref<32768xi32, #tpu.memory_space<hbm>> -> memref<1024xi32, #tpu.memory_space<hbm>>
      tpu.enqueue_dma source(%dma_start3A_17 : memref<1024xi32, #tpu.memory_space<hbm>>) target(%arg5 : memref<1024xi32, #tpu.memory_space<vmem>>) target_semaphore(%run_scoped3A : memref<!tpu.dma_semaphore, #tpu.memory_space<semaphore_mem>>)
      %dma_wait3A = tpu.memref_slice %arg3[%mul3A_2] : memref<32768xi32, #tpu.memory_space<hbm>> -> memref<1024xi32, #tpu.memory_space<hbm>>
      %dma_wait3A_18 = tpu.memref_slice %arg3[%mul3A_2] : memref<32768xi32, #tpu.memory_space<hbm>> -> memref<1024xi32, #tpu.memory_space<hbm>>
      tpu.wait_dma2 semaphore(%run_scoped3A : memref<!tpu.dma_semaphore, #tpu.memory_space<semaphore_mem>>) src(%dma_wait3A_18 : memref<1024xi32, #tpu.memory_space<hbm>>) dst(%arg5 : memref<1024xi32, #tpu.memory_space<vmem>>)
      tpu.yield
    }) : () -> ()
    %dma_start3A = arith.constant 0 : i32
    %dma_start3A_3 = tpu.memref_slice %arg5[%dma_start3A] : memref<1024xi32, #tpu.memory_space<vmem>> -> memref<64xi32, #tpu.memory_space<vmem>>
    %dma_start3A_4 = arith.constant 0 : i32
    %dma_start3A_5 = arith.constant 0 : i32
    %dma_start3A_6 = tpu.memref_slice %arg2[%dma_start3A_4, %dma_start3A_5] : memref<30522x768xf32, #tpu.memory_space<hbm>> -> memref<30522x768xf32, #tpu.memory_space<hbm>>
    tpu.enqueue_indirect_dma source(%dma_start3A_6 : memref<30522x768xf32, #tpu.memory_space<hbm>>) target(%arg6 : memref<64x768xf32, #tpu.memory_space<vmem>>) offsets(%dma_start3A_3 : memref<64xi32, #tpu.memory_space<vmem>>) semaphore(%arg8 : memref<!tpu.dma_semaphore, #tpu.memory_space<semaphore_mem>>)
    %dma_start3A_7 = arith.constant 64 : i32
    %dma_start3A_8 = tpu.memref_slice %arg5[%dma_start3A_7] : memref<1024xi32, #tpu.memory_space<vmem>> -> memref<64xi32, #tpu.memory_space<vmem>>
    %dma_start3A_9 = arith.constant 0 : i32
    %dma_start3A_10 = arith.constant 0 : i32
    %dma_start3A_11 = tpu.memref_slice %arg2[%dma_start3A_9, %dma_start3A_10] : memref<30522x768xf32, #tpu.memory_space<hbm>> -> memref<30522x768xf32, #tpu.memory_space<hbm>>
    tpu.enqueue_indirect_dma source(%dma_start3A_11 : memref<30522x768xf32, #tpu.memory_space<hbm>>) target(%arg7 : memref<64x768xf32, #tpu.memory_space<vmem>>) offsets(%dma_start3A_8 : memref<64xi32, #tpu.memory_space<vmem>>) semaphore(%arg9 : memref<!tpu.dma_semaphore, #tpu.memory_space<semaphore_mem>>)
    %scan3A = arith.constant 0 : i32
    %scan3A_12 = arith.constant 8 : i32
    %scan3A_13 = arith.addi %scan3A, %scan3A_12 : i32
    %scan3A_14 = arith.constant 1 : i32
    scf.for %scan3A_16 = %scan3A to %scan3A_13 step %scan3A_14  : i32 {
      %mul3A_17 = arith.constant 2 : i32
      %mul3A_18 = arith.muli %scan3A_16, %mul3A_17 : i32
      %add3A_19 = arith.constant 0 : i32
      %add3A_20 = arith.addi %add3A_19, %mul3A_18 : i32
      %mul3A_21 = arith.constant 64 : i32
      %mul3A_22 = arith.muli %add3A_20, %mul3A_21 : i32
      %dma_wait3A = tpu.memref_slice %arg5[%mul3A_22] : memref<1024xi32, #tpu.memory_space<vmem>> -> memref<64xi32, #tpu.memory_space<vmem>>
      %dma_wait3A_23 = arith.constant 0 : i32
      %dma_wait3A_24 = arith.constant 0 : i32
      %dma_wait3A_25 = tpu.memref_slice %arg2[%dma_wait3A_23, %dma_wait3A_24] : memref<30522x768xf32, #tpu.memory_space<hbm>> -> memref<30522x768xf32, #tpu.memory_space<hbm>>
      tpu.wait_indirect_dma semaphore(%arg8 : memref<!tpu.dma_semaphore, #tpu.memory_space<semaphore_mem>>) src(%dma_wait3A_25 : memref<30522x768xf32, #tpu.memory_space<hbm>>) dst(%arg6 : memref<64x768xf32, #tpu.memory_space<vmem>>)
      %mul3A_26 = arith.constant 64 : i32
      %mul3A_27 = arith.muli %add3A_20, %mul3A_26 : i32
      %add3A_28 = arith.addi %mul3A_2, %mul3A_27 : i32
      %dma_start3A_29 = arith.constant 0 : i32
      %dma_start3A_30 = tpu.memref_slice %arg4[%add3A_28, %dma_start3A_29] : memref<32768x768xf32, #tpu.memory_space<hbm>> -> memref<64x768xf32, #tpu.memory_space<hbm>>
      %dma_start3A_31 = arith.constant 0 : i32
      %dma_start3A_32 = tpu.memref_slice %arg4[%add3A_28, %dma_start3A_31] : memref<32768x768xf32, #tpu.memory_space<hbm>> -> memref<64x768xf32, #tpu.memory_space<hbm>>
      tpu.enqueue_dma source(%arg6 : memref<64x768xf32, #tpu.memory_space<vmem>>) target(%dma_start3A_32 : memref<64x768xf32, #tpu.memory_space<hbm>>) target_semaphore(%arg10 : memref<!tpu.dma_semaphore, #tpu.memory_space<semaphore_mem>>)
      %add3A_33 = arith.constant 1 : i32
      %add3A_34 = arith.addi %add3A_20, %add3A_33 : i32
      %mul3A_35 = arith.constant 64 : i32
      %mul3A_36 = arith.muli %add3A_34, %mul3A_35 : i32
      %dma_wait3A_37 = tpu.memref_slice %arg5[%mul3A_36] : memref<1024xi32, #tpu.memory_space<vmem>> -> memref<64xi32, #tpu.memory_space<vmem>>
      %dma_wait3A_38 = arith.constant 0 : i32
      %dma_wait3A_39 = arith.constant 0 : i32
      %dma_wait3A_40 = tpu.memref_slice %arg2[%dma_wait3A_38, %dma_wait3A_39] : memref<30522x768xf32, #tpu.memory_space<hbm>> -> memref<30522x768xf32, #tpu.memory_space<hbm>>
      tpu.wait_indirect_dma semaphore(%arg9 : memref<!tpu.dma_semaphore, #tpu.memory_space<semaphore_mem>>) src(%dma_wait3A_40 : memref<30522x768xf32, #tpu.memory_space<hbm>>) dst(%arg7 : memref<64x768xf32, #tpu.memory_space<vmem>>)
      %add3A_41 = arith.constant 1 : i32
      %add3A_42 = arith.addi %add3A_20, %add3A_41 : i32
      %mul3A_43 = arith.constant 64 : i32
      %mul3A_44 = arith.muli %add3A_42, %mul3A_43 : i32
      %add3A_45 = arith.addi %mul3A_2, %mul3A_44 : i32
      %dma_start3A_46 = arith.constant 0 : i32
      %dma_start3A_47 = tpu.memref_slice %arg4[%add3A_45, %dma_start3A_46] : memref<32768x768xf32, #tpu.memory_space<hbm>> -> memref<64x768xf32, #tpu.memory_space<hbm>>
      %dma_start3A_48 = arith.constant 0 : i32
      %dma_start3A_49 = tpu.memref_slice %arg4[%add3A_45, %dma_start3A_48] : memref<32768x768xf32, #tpu.memory_space<hbm>> -> memref<64x768xf32, #tpu.memory_space<hbm>>
      tpu.enqueue_dma source(%arg7 : memref<64x768xf32, #tpu.memory_space<vmem>>) target(%dma_start3A_49 : memref<64x768xf32, #tpu.memory_space<hbm>>) target_semaphore(%arg11 : memref<!tpu.dma_semaphore, #tpu.memory_space<semaphore_mem>>)
      %mul3A_50 = arith.constant 64 : i32
      %mul3A_51 = arith.muli %add3A_20, %mul3A_50 : i32
      %add3A_52 = arith.addi %mul3A_2, %mul3A_51 : i32
      %dma_wait3A_53 = arith.constant 0 : i32
      %dma_wait3A_54 = tpu.memref_slice %arg4[%add3A_52, %dma_wait3A_53] : memref<32768x768xf32, #tpu.memory_space<hbm>> -> memref<64x768xf32, #tpu.memory_space<hbm>>
      %dma_wait3A_55 = arith.constant 0 : i32
      %dma_wait3A_56 = tpu.memref_slice %arg4[%add3A_52, %dma_wait3A_55] : memref<32768x768xf32, #tpu.memory_space<hbm>> -> memref<64x768xf32, #tpu.memory_space<hbm>>
      tpu.wait_dma2 semaphore(%arg10 : memref<!tpu.dma_semaphore, #tpu.memory_space<semaphore_mem>>) src(%arg6 : memref<64x768xf32, #tpu.memory_space<vmem>>) dst(%dma_wait3A_56 : memref<64x768xf32, #tpu.memory_space<hbm>>)
      %add3A_57 = arith.constant 2 : i32
      %add3A_58 = arith.addi %add3A_20, %add3A_57 : i32
      %lt3A = arith.constant 16 : i32
      %lt3A_59 = arith.cmpi slt, %add3A_58, %lt3A : i32
      %convert_element_type3A = arith.extui %lt3A_59 : i1 to i32
      %cond3A = arith.constant 0 : i32
      %cond3A_60 = arith.cmpi ne, %convert_element_type3A, %cond3A : i32
      scf.if %cond3A_60 {
        %add3A_77 = arith.constant 2 : i32
        %add3A_78 = arith.addi %add3A_20, %add3A_77 : i32
        %mul3A_79 = arith.constant 64 : i32
        %mul3A_80 = arith.muli %add3A_78, %mul3A_79 : i32
        %dma_start3A_81 = tpu.memref_slice %arg5[%mul3A_80] : memref<1024xi32, #tpu.memory_space<vmem>> -> memref<64xi32, #tpu.memory_space<vmem>>
        %dma_start3A_82 = arith.constant 0 : i32
        %dma_start3A_83 = arith.constant 0 : i32
        %dma_start3A_84 = tpu.memref_slice %arg2[%dma_start3A_82, %dma_start3A_83] : memref<30522x768xf32, #tpu.memory_space<hbm>> -> memref<30522x768xf32, #tpu.memory_space<hbm>>
        tpu.enqueue_indirect_dma source(%dma_start3A_84 : memref<30522x768xf32, #tpu.memory_space<hbm>>) target(%arg6 : memref<64x768xf32, #tpu.memory_space<vmem>>) offsets(%dma_start3A_81 : memref<64xi32, #tpu.memory_space<vmem>>) semaphore(%arg8 : memref<!tpu.dma_semaphore, #tpu.memory_space<semaphore_mem>>)
      } else {
      }
      %add3A_61 = arith.constant 1 : i32
      %add3A_62 = arith.addi %add3A_20, %add3A_61 : i32
      %mul3A_63 = arith.constant 64 : i32
      %mul3A_64 = arith.muli %add3A_62, %mul3A_63 : i32
      %add3A_65 = arith.addi %mul3A_2, %mul3A_64 : i32
      %dma_wait3A_66 = arith.constant 0 : i32
      %dma_wait3A_67 = tpu.memref_slice %arg4[%add3A_65, %dma_wait3A_66] : memref<32768x768xf32, #tpu.memory_space<hbm>> -> memref<64x768xf32, #tpu.memory_space<hbm>>
      %dma_wait3A_68 = arith.constant 0 : i32
      %dma_wait3A_69 = tpu.memref_slice %arg4[%add3A_65, %dma_wait3A_68] : memref<32768x768xf32, #tpu.memory_space<hbm>> -> memref<64x768xf32, #tpu.memory_space<hbm>>
      tpu.wait_dma2 semaphore(%arg11 : memref<!tpu.dma_semaphore, #tpu.memory_space<semaphore_mem>>) src(%arg7 : memref<64x768xf32, #tpu.memory_space<vmem>>) dst(%dma_wait3A_69 : memref<64x768xf32, #tpu.memory_space<hbm>>)
      %add3A_70 = arith.constant 3 : i32
      %add3A_71 = arith.addi %add3A_20, %add3A_70 : i32
      %lt3A_72 = arith.constant 16 : i32
      %lt3A_73 = arith.cmpi slt, %add3A_71, %lt3A_72 : i32
      %convert_element_type3A_74 = arith.extui %lt3A_73 : i1 to i32
      %cond3A_75 = arith.constant 0 : i32
      %cond3A_76 = arith.cmpi ne, %convert_element_type3A_74, %cond3A_75 : i32
      scf.if %cond3A_76 {
        %add3A_77 = arith.constant 3 : i32
        %add3A_78 = arith.addi %add3A_20, %add3A_77 : i32
        %mul3A_79 = arith.constant 64 : i32
        %mul3A_80 = arith.muli %add3A_78, %mul3A_79 : i32
        %dma_start3A_81 = tpu.memref_slice %arg5[%mul3A_80] : memref<1024xi32, #tpu.memory_space<vmem>> -> memref<64xi32, #tpu.memory_space<vmem>>
        %dma_start3A_82 = arith.constant 0 : i32
        %dma_start3A_83 = arith.constant 0 : i32
        %dma_start3A_84 = tpu.memref_slice %arg2[%dma_start3A_82, %dma_start3A_83] : memref<30522x768xf32, #tpu.memory_space<hbm>> -> memref<30522x768xf32, #tpu.memory_space<hbm>>
        tpu.enqueue_indirect_dma source(%dma_start3A_84 : memref<30522x768xf32, #tpu.memory_space<hbm>>) target(%arg7 : memref<64x768xf32, #tpu.memory_space<vmem>>) offsets(%dma_start3A_81 : memref<64xi32, #tpu.memory_space<vmem>>) semaphore(%arg9 : memref<!tpu.dma_semaphore, #tpu.memory_space<semaphore_mem>>)
      } else {
      }
    }
    %scan3A_15 = arith.constant 8 : i32
    return
  }
}

module attributes {stable_mosaic.version = 14 : i64} {
  func.func @_tc_body(%arg0: i32, %arg1: memref<1024x4xi32, #tpu.memory_space<vmem>>, %arg2: memref<1024x768xf32, #tpu.memory_space<vmem>>, %arg3: memref<4096x768xbf16, #tpu.memory_space<vmem>>, %arg4: memref<512x768xf32, #tpu.memory_space<vmem>>, %arg5: memref<2x768xf32, #tpu.memory_space<vmem>>, %arg6: memref<1x768xf32, #tpu.memory_space<vmem>>, %arg7: memref<1x768xf32, #tpu.memory_space<vmem>>, %arg8: memref<1024x768xf32, #tpu.memory_space<vmem>>) attributes {dimension_semantics = [#tpu.dimension_semantics<arbitrary>], iteration_bounds = array<i64: 32>, scalar_prefetch = 0 : i64, scratch_operands = 0 : i64, tpu.core_type = #tpu.core_type<tc>, window_params = [{transform_indices = @transform_0, window_bounds = array<i64: 1024, 4>}, {transform_indices = @transform_1, window_bounds = array<i64: 1024, 768>}, {pipeline_mode = #tpu.pipeline_mode<synchronous>, transform_indices = @transform_2, window_bounds = array<i64: 4096, 768>}, {pipeline_mode = #tpu.pipeline_mode<synchronous>, transform_indices = @transform_3, window_bounds = array<i64: 512, 768>}, {pipeline_mode = #tpu.pipeline_mode<synchronous>, transform_indices = @transform_4, window_bounds = array<i64: 2, 768>}, {pipeline_mode = #tpu.pipeline_mode<synchronous>, transform_indices = @transform_5, window_bounds = array<i64: 1, 768>}, {pipeline_mode = #tpu.pipeline_mode<synchronous>, transform_indices = @transform_6, window_bounds = array<i64: 1, 768>}, {transform_indices = @transform_7, window_bounds = array<i64: 1024, 768>}]} {
    %get3A = arith.constant 0 : index
    %get3A_0 = arith.constant 0 : index
    %get3A_1 = vector.load %arg1[%get3A, %get3A_0] : memref<1024x4xi32, #tpu.memory_space<vmem>>, vector<256x4xi32>
    %slice3A = vector.extract_strided_slice %get3A_1 {offsets = [0, 0], sizes = [256, 1], strides = [1, 1]} : vector<256x4xi32> to vector<256x1xi32>
    %slice3A_2 = vector.extract_strided_slice %get3A_1 {offsets = [0, 1], sizes = [256, 1], strides = [1, 1]} : vector<256x4xi32> to vector<256x1xi32>
    %slice3A_3 = vector.extract_strided_slice %get3A_1 {offsets = [0, 2], sizes = [256, 1], strides = [1, 1]} : vector<256x4xi32> to vector<256x1xi32>
    %slice3A_4 = vector.extract_strided_slice %get3A_1 {offsets = [0, 3], sizes = [256, 1], strides = [1, 1]} : vector<256x4xi32> to vector<256x1xi32>
    %iota3A = tpu.iota {dimensions = array<i32: 1>} : vector<256x1024xi32>
    %eq3A = vector.broadcast %slice3A : vector<256x1xi32> to vector<256x1024xi32>
    %eq3A_5 = arith.cmpi eq, %iota3A, %eq3A : vector<256x1024xi32>
    %convert_element_type3A = arith.extui %eq3A_5 : vector<256x1024xi1> to vector<256x1024xi32>
    %convert_element_type3A_6 = arith.sitofp %convert_element_type3A : vector<256x1024xi32> to vector<256x1024xf32>
    %convert_element_type3A_7 = arith.truncf %convert_element_type3A_6 : vector<256x1024xf32> to vector<256x1024xbf16>
    %eq3A_8 = vector.broadcast %slice3A_3 : vector<256x1xi32> to vector<256x1024xi32>
    %eq3A_9 = arith.cmpi eq, %iota3A, %eq3A_8 : vector<256x1024xi32>
    %convert_element_type3A_10 = arith.extui %eq3A_9 : vector<256x1024xi1> to vector<256x1024xi32>
    %convert_element_type3A_11 = arith.sitofp %convert_element_type3A_10 : vector<256x1024xi32> to vector<256x1024xf32>
    %convert_element_type3A_12 = arith.truncf %convert_element_type3A_11 : vector<256x1024xf32> to vector<256x1024xbf16>
    %add3A = arith.addf %convert_element_type3A_7, %convert_element_type3A_12 : vector<256x1024xbf16>
    %eq3A_13 = vector.broadcast %slice3A_2 : vector<256x1xi32> to vector<256x1024xi32>
    %eq3A_14 = arith.cmpi eq, %iota3A, %eq3A_13 : vector<256x1024xi32>
    %convert_element_type3A_15 = arith.extui %eq3A_14 : vector<256x1024xi1> to vector<256x1024xi32>
    %convert_element_type3A_16 = arith.sitofp %convert_element_type3A_15 : vector<256x1024xi32> to vector<256x1024xf32>
    %convert_element_type3A_17 = arith.truncf %convert_element_type3A_16 : vector<256x1024xf32> to vector<256x1024xbf16>
    %eq3A_18 = vector.broadcast %slice3A_4 : vector<256x1xi32> to vector<256x1024xi32>
    %eq3A_19 = arith.cmpi eq, %iota3A, %eq3A_18 : vector<256x1024xi32>
    %convert_element_type3A_20 = arith.extui %eq3A_19 : vector<256x1024xi1> to vector<256x1024xi32>
    %convert_element_type3A_21 = arith.sitofp %convert_element_type3A_20 : vector<256x1024xi32> to vector<256x1024xf32>
    %convert_element_type3A_22 = arith.truncf %convert_element_type3A_21 : vector<256x1024xf32> to vector<256x1024xbf16>
    %add3A_23 = arith.addf %convert_element_type3A_17, %convert_element_type3A_22 : vector<256x1024xbf16>
    %sub3A = arith.subi %slice3A_4, %slice3A_2 : vector<256x1xi32>
    %eq3A_24 = vector.broadcast %sub3A : vector<256x1xi32> to vector<256x1024xi32>
    %eq3A_25 = arith.cmpi eq, %iota3A, %eq3A_24 : vector<256x1024xi32>
    %convert_element_type3A_26 = arith.extui %eq3A_25 : vector<256x1024xi1> to vector<256x1024xi32>
    %convert_element_type3A_27 = arith.sitofp %convert_element_type3A_26 : vector<256x1024xi32> to vector<256x1024xf32>
    %convert_element_type3A_28 = arith.truncf %convert_element_type3A_27 : vector<256x1024xf32> to vector<256x1024xbf16>
    %sub3A_29 = arith.subi %slice3A_3, %slice3A : vector<256x1xi32>
    %eq3A_30 = vector.broadcast %sub3A_29 : vector<256x1xi32> to vector<256x1024xi32>
    %eq3A_31 = arith.cmpi eq, %iota3A, %eq3A_30 : vector<256x1024xi32>
    %convert_element_type3A_32 = arith.extui %eq3A_31 : vector<256x1024xi1> to vector<256x1024xi32>
    %convert_element_type3A_33 = arith.sitofp %convert_element_type3A_32 : vector<256x1024xi32> to vector<256x1024xf32>
    %convert_element_type3A_34 = arith.truncf %convert_element_type3A_33 : vector<256x1024xf32> to vector<256x1024xbf16>
    %concatenate3A = tpu.concatenate %add3A, %add3A_23, %convert_element_type3A_28, %convert_element_type3A_34 in 1 : vector<256x1024xbf16>, vector<256x1024xbf16>, vector<256x1024xbf16>, vector<256x1024xbf16> -> vector<256x4096xbf16>
    %get3A_35 = arith.constant 0 : index
    %get3A_36 = arith.constant 0 : index
    %get3A_37 = vector.load %arg2[%get3A_35, %get3A_36] : memref<1024x768xf32, #tpu.memory_space<vmem>>, vector<256x768xf32>
    %get3A_38 = arith.constant 0 : index
    %get3A_39 = arith.constant 0 : index
    %get3A_40 = vector.load %arg4[%get3A_38, %get3A_39] : memref<512x768xf32, #tpu.memory_space<vmem>>, vector<256x768xf32>
    %add3A_41 = arith.addf %get3A_37, %get3A_40 : vector<256x768xf32>
    %get3A_42 = arith.constant 0 : index
    %get3A_43 = arith.constant 0 : index
    %get3A_44 = vector.load %arg5[%get3A_42, %get3A_43] : memref<2x768xf32, #tpu.memory_space<vmem>>, vector<1x768xf32>
    %add3A_45 = vector.broadcast %get3A_44 : vector<1x768xf32> to vector<256x768xf32>
    %add3A_46 = arith.addf %add3A_41, %add3A_45 : vector<256x768xf32>
    %get3A_47 = arith.constant 0 : index
    %get3A_48 = arith.constant 0 : index
    %get3A_49 = vector.load %arg3[%get3A_47, %get3A_48] : memref<4096x768xbf16, #tpu.memory_space<vmem>>, vector<4096x768xbf16>
    %dot_general3A = arith.constant dense<0.000000e+00> : vector<256x768xf32>
    %dot_general3A_50 = tpu.matmul %concatenate3A, %get3A_49, %dot_general3A {dimension_numbers = #tpu.dot_dimension_numbers<[1], [0], [0], [1], [0, 0, 1, 1], [], []>, transpose_lhs_hint = false} : vector<256x4096xbf16>, vector<4096x768xbf16>, vector<256x768xf32> -> vector<256x768xf32>
    %add3A_51 = arith.addf %add3A_46, %dot_general3A_50 : vector<256x768xf32>
    %reduce_sum3A = arith.constant dense<0.000000e+00> : vector<256xf32>
    %reduce_sum3A_52 = vector.multi_reduction <add>, %add3A_51, %reduce_sum3A [1] : vector<256x768xf32> to vector<256xf32>
    %broadcast_in_dim3A = vector.shape_cast %reduce_sum3A_52 : vector<256xf32> to vector<256x1xf32>
    %div3A = arith.constant 7.680000e+02 : f32
    %div3A_53 = vector.broadcast %div3A : f32 to vector<256x1xf32>
    %div3A_54 = arith.divf %broadcast_in_dim3A, %div3A_53 : vector<256x1xf32>
    %sub3A_55 = vector.broadcast %div3A_54 : vector<256x1xf32> to vector<256x768xf32>
    %sub3A_56 = arith.subf %add3A_51, %sub3A_55 : vector<256x768xf32>
    %mul3A = arith.mulf %sub3A_56, %sub3A_56 : vector<256x768xf32>
    %reduce_sum3A_57 = arith.constant dense<0.000000e+00> : vector<256xf32>
    %reduce_sum3A_58 = vector.multi_reduction <add>, %mul3A, %reduce_sum3A_57 [1] : vector<256x768xf32> to vector<256xf32>
    %broadcast_in_dim3A_59 = vector.shape_cast %reduce_sum3A_58 : vector<256xf32> to vector<256x1xf32>
    %div3A_60 = arith.constant 7.680000e+02 : f32
    %div3A_61 = vector.broadcast %div3A_60 : f32 to vector<256x1xf32>
    %div3A_62 = arith.divf %broadcast_in_dim3A_59, %div3A_61 : vector<256x1xf32>
    %add3A_63 = arith.constant 9.99999996E-13 : f32
    %add3A_64 = vector.broadcast %add3A_63 : f32 to vector<256x1xf32>
    %add3A_65 = arith.addf %div3A_62, %add3A_64 : vector<256x1xf32>
    %rsqrt3A = math.rsqrt %add3A_65 : vector<256x1xf32>
    %mul3A_66 = vector.broadcast %rsqrt3A : vector<256x1xf32> to vector<256x768xf32>
    %mul3A_67 = arith.mulf %sub3A_56, %mul3A_66 : vector<256x768xf32>
    %get3A_68 = arith.constant 0 : index
    %get3A_69 = arith.constant 0 : index
    %get3A_70 = vector.load %arg6[%get3A_68, %get3A_69] : memref<1x768xf32, #tpu.memory_space<vmem>>, vector<1x768xf32>
    %mul3A_71 = vector.broadcast %get3A_70 : vector<1x768xf32> to vector<256x768xf32>
    %mul3A_72 = arith.mulf %mul3A_67, %mul3A_71 : vector<256x768xf32>
    %get3A_73 = arith.constant 0 : index
    %get3A_74 = arith.constant 0 : index
    %get3A_75 = vector.load %arg7[%get3A_73, %get3A_74] : memref<1x768xf32, #tpu.memory_space<vmem>>, vector<1x768xf32>
    %add3A_76 = vector.broadcast %get3A_75 : vector<1x768xf32> to vector<256x768xf32>
    %add3A_77 = arith.addf %mul3A_72, %add3A_76 : vector<256x768xf32>
    %swap3A = arith.constant 0 : index
    %swap3A_78 = arith.constant 0 : index
    %swap3A_79 = vector.load %arg8[%swap3A, %swap3A_78] : memref<1024x768xf32, #tpu.memory_space<vmem>>, vector<256x768xf32>
    tpu.vector_store %arg8[%swap3A, %swap3A_78], %add3A_77 {strides = array<i32>} : memref<1024x768xf32, #tpu.memory_space<vmem>>, vector<256x768xf32>,
    %get3A_80 = arith.constant 256 : index
    %get3A_81 = arith.constant 0 : index
    %get3A_82 = vector.load %arg1[%get3A_80, %get3A_81] : memref<1024x4xi32, #tpu.memory_space<vmem>>, vector<256x4xi32>
    %slice3A_83 = vector.extract_strided_slice %get3A_82 {offsets = [0, 0], sizes = [256, 1], strides = [1, 1]} : vector<256x4xi32> to vector<256x1xi32>
    %slice3A_84 = vector.extract_strided_slice %get3A_82 {offsets = [0, 1], sizes = [256, 1], strides = [1, 1]} : vector<256x4xi32> to vector<256x1xi32>
    %slice3A_85 = vector.extract_strided_slice %get3A_82 {offsets = [0, 2], sizes = [256, 1], strides = [1, 1]} : vector<256x4xi32> to vector<256x1xi32>
    %slice3A_86 = vector.extract_strided_slice %get3A_82 {offsets = [0, 3], sizes = [256, 1], strides = [1, 1]} : vector<256x4xi32> to vector<256x1xi32>
    %iota3A_87 = tpu.iota {dimensions = array<i32: 1>} : vector<256x1024xi32>
    %eq3A_88 = vector.broadcast %slice3A_83 : vector<256x1xi32> to vector<256x1024xi32>
    %eq3A_89 = arith.cmpi eq, %iota3A_87, %eq3A_88 : vector<256x1024xi32>
    %convert_element_type3A_90 = arith.extui %eq3A_89 : vector<256x1024xi1> to vector<256x1024xi32>
    %convert_element_type3A_91 = arith.sitofp %convert_element_type3A_90 : vector<256x1024xi32> to vector<256x1024xf32>
    %convert_element_type3A_92 = arith.truncf %convert_element_type3A_91 : vector<256x1024xf32> to vector<256x1024xbf16>
    %eq3A_93 = vector.broadcast %slice3A_85 : vector<256x1xi32> to vector<256x1024xi32>
    %eq3A_94 = arith.cmpi eq, %iota3A_87, %eq3A_93 : vector<256x1024xi32>
    %convert_element_type3A_95 = arith.extui %eq3A_94 : vector<256x1024xi1> to vector<256x1024xi32>
    %convert_element_type3A_96 = arith.sitofp %convert_element_type3A_95 : vector<256x1024xi32> to vector<256x1024xf32>
    %convert_element_type3A_97 = arith.truncf %convert_element_type3A_96 : vector<256x1024xf32> to vector<256x1024xbf16>
    %add3A_98 = arith.addf %convert_element_type3A_92, %convert_element_type3A_97 : vector<256x1024xbf16>
    %eq3A_99 = vector.broadcast %slice3A_84 : vector<256x1xi32> to vector<256x1024xi32>
    %eq3A_100 = arith.cmpi eq, %iota3A_87, %eq3A_99 : vector<256x1024xi32>
    %convert_element_type3A_101 = arith.extui %eq3A_100 : vector<256x1024xi1> to vector<256x1024xi32>
    %convert_element_type3A_102 = arith.sitofp %convert_element_type3A_101 : vector<256x1024xi32> to vector<256x1024xf32>
    %convert_element_type3A_103 = arith.truncf %convert_element_type3A_102 : vector<256x1024xf32> to vector<256x1024xbf16>
    %eq3A_104 = vector.broadcast %slice3A_86 : vector<256x1xi32> to vector<256x1024xi32>
    %eq3A_105 = arith.cmpi eq, %iota3A_87, %eq3A_104 : vector<256x1024xi32>
    %convert_element_type3A_106 = arith.extui %eq3A_105 : vector<256x1024xi1> to vector<256x1024xi32>
    %convert_element_type3A_107 = arith.sitofp %convert_element_type3A_106 : vector<256x1024xi32> to vector<256x1024xf32>
    %convert_element_type3A_108 = arith.truncf %convert_element_type3A_107 : vector<256x1024xf32> to vector<256x1024xbf16>
    %add3A_109 = arith.addf %convert_element_type3A_103, %convert_element_type3A_108 : vector<256x1024xbf16>
    %sub3A_110 = arith.subi %slice3A_86, %slice3A_84 : vector<256x1xi32>
    %eq3A_111 = vector.broadcast %sub3A_110 : vector<256x1xi32> to vector<256x1024xi32>
    %eq3A_112 = arith.cmpi eq, %iota3A_87, %eq3A_111 : vector<256x1024xi32>
    %convert_element_type3A_113 = arith.extui %eq3A_112 : vector<256x1024xi1> to vector<256x1024xi32>
    %convert_element_type3A_114 = arith.sitofp %convert_element_type3A_113 : vector<256x1024xi32> to vector<256x1024xf32>
    %convert_element_type3A_115 = arith.truncf %convert_element_type3A_114 : vector<256x1024xf32> to vector<256x1024xbf16>
    %sub3A_116 = arith.subi %slice3A_85, %slice3A_83 : vector<256x1xi32>
    %eq3A_117 = vector.broadcast %sub3A_116 : vector<256x1xi32> to vector<256x1024xi32>
    %eq3A_118 = arith.cmpi eq, %iota3A_87, %eq3A_117 : vector<256x1024xi32>
    %convert_element_type3A_119 = arith.extui %eq3A_118 : vector<256x1024xi1> to vector<256x1024xi32>
    %convert_element_type3A_120 = arith.sitofp %convert_element_type3A_119 : vector<256x1024xi32> to vector<256x1024xf32>
    %convert_element_type3A_121 = arith.truncf %convert_element_type3A_120 : vector<256x1024xf32> to vector<256x1024xbf16>
    %concatenate3A_122 = tpu.concatenate %add3A_98, %add3A_109, %convert_element_type3A_115, %convert_element_type3A_121 in 1 : vector<256x1024xbf16>, vector<256x1024xbf16>, vector<256x1024xbf16>, vector<256x1024xbf16> -> vector<256x4096xbf16>
    %get3A_123 = arith.constant 256 : index
    %get3A_124 = arith.constant 0 : index
    %get3A_125 = vector.load %arg2[%get3A_123, %get3A_124] : memref<1024x768xf32, #tpu.memory_space<vmem>>, vector<256x768xf32>
    %get3A_126 = arith.constant 256 : index
    %get3A_127 = arith.constant 0 : index
    %get3A_128 = vector.load %arg4[%get3A_126, %get3A_127] : memref<512x768xf32, #tpu.memory_space<vmem>>, vector<256x768xf32>
    %add3A_129 = arith.addf %get3A_125, %get3A_128 : vector<256x768xf32>
    %get3A_130 = arith.constant 0 : index
    %get3A_131 = arith.constant 0 : index
    %get3A_132 = vector.load %arg5[%get3A_130, %get3A_131] : memref<2x768xf32, #tpu.memory_space<vmem>>, vector<1x768xf32>
    %add3A_133 = vector.broadcast %get3A_132 : vector<1x768xf32> to vector<256x768xf32>
    %add3A_134 = arith.addf %add3A_129, %add3A_133 : vector<256x768xf32>
    %get3A_135 = arith.constant 0 : index
    %get3A_136 = arith.constant 0 : index
    %get3A_137 = vector.load %arg3[%get3A_135, %get3A_136] : memref<4096x768xbf16, #tpu.memory_space<vmem>>, vector<4096x768xbf16>
    %dot_general3A_138 = arith.constant dense<0.000000e+00> : vector<256x768xf32>
    %dot_general3A_139 = tpu.matmul %concatenate3A_122, %get3A_137, %dot_general3A_138 {dimension_numbers = #tpu.dot_dimension_numbers<[1], [0], [0], [1], [0, 0, 1, 1], [], []>, transpose_lhs_hint = false} : vector<256x4096xbf16>, vector<4096x768xbf16>, vector<256x768xf32> -> vector<256x768xf32>
    %add3A_140 = arith.addf %add3A_134, %dot_general3A_139 : vector<256x768xf32>
    %reduce_sum3A_141 = arith.constant dense<0.000000e+00> : vector<256xf32>
    %reduce_sum3A_142 = vector.multi_reduction <add>, %add3A_140, %reduce_sum3A_141 [1] : vector<256x768xf32> to vector<256xf32>
    %broadcast_in_dim3A_143 = vector.shape_cast %reduce_sum3A_142 : vector<256xf32> to vector<256x1xf32>
    %div3A_144 = arith.constant 7.680000e+02 : f32
    %div3A_145 = vector.broadcast %div3A_144 : f32 to vector<256x1xf32>
    %div3A_146 = arith.divf %broadcast_in_dim3A_143, %div3A_145 : vector<256x1xf32>
    %sub3A_147 = vector.broadcast %div3A_146 : vector<256x1xf32> to vector<256x768xf32>
    %sub3A_148 = arith.subf %add3A_140, %sub3A_147 : vector<256x768xf32>
    %mul3A_149 = arith.mulf %sub3A_148, %sub3A_148 : vector<256x768xf32>
    %reduce_sum3A_150 = arith.constant dense<0.000000e+00> : vector<256xf32>
    %reduce_sum3A_151 = vector.multi_reduction <add>, %mul3A_149, %reduce_sum3A_150 [1] : vector<256x768xf32> to vector<256xf32>
    %broadcast_in_dim3A_152 = vector.shape_cast %reduce_sum3A_151 : vector<256xf32> to vector<256x1xf32>
    %div3A_153 = arith.constant 7.680000e+02 : f32
    %div3A_154 = vector.broadcast %div3A_153 : f32 to vector<256x1xf32>
    %div3A_155 = arith.divf %broadcast_in_dim3A_152, %div3A_154 : vector<256x1xf32>
    %add3A_156 = arith.constant 9.99999996E-13 : f32
    %add3A_157 = vector.broadcast %add3A_156 : f32 to vector<256x1xf32>
    %add3A_158 = arith.addf %div3A_155, %add3A_157 : vector<256x1xf32>
    %rsqrt3A_159 = math.rsqrt %add3A_158 : vector<256x1xf32>
    %mul3A_160 = vector.broadcast %rsqrt3A_159 : vector<256x1xf32> to vector<256x768xf32>
    %mul3A_161 = arith.mulf %sub3A_148, %mul3A_160 : vector<256x768xf32>
    %get3A_162 = arith.constant 0 : index
    %get3A_163 = arith.constant 0 : index
    %get3A_164 = vector.load %arg6[%get3A_162, %get3A_163] : memref<1x768xf32, #tpu.memory_space<vmem>>, vector<1x768xf32>
    %mul3A_165 = vector.broadcast %get3A_164 : vector<1x768xf32> to vector<256x768xf32>
    %mul3A_166 = arith.mulf %mul3A_161, %mul3A_165 : vector<256x768xf32>
    %get3A_167 = arith.constant 0 : index
    %get3A_168 = arith.constant 0 : index
    %get3A_169 = vector.load %arg7[%get3A_167, %get3A_168] : memref<1x768xf32, #tpu.memory_space<vmem>>, vector<1x768xf32>
    %add3A_170 = vector.broadcast %get3A_169 : vector<1x768xf32> to vector<256x768xf32>
    %add3A_171 = arith.addf %mul3A_166, %add3A_170 : vector<256x768xf32>
    %swap3A_172 = arith.constant 256 : index
    %swap3A_173 = arith.constant 0 : index
    %swap3A_174 = vector.load %arg8[%swap3A_172, %swap3A_173] : memref<1024x768xf32, #tpu.memory_space<vmem>>, vector<256x768xf32>
    tpu.vector_store %arg8[%swap3A_172, %swap3A_173], %add3A_171 {strides = array<i32>} : memref<1024x768xf32, #tpu.memory_space<vmem>>, vector<256x768xf32>,
    %get3A_175 = arith.constant 512 : index
    %get3A_176 = arith.constant 0 : index
    %get3A_177 = vector.load %arg1[%get3A_175, %get3A_176] : memref<1024x4xi32, #tpu.memory_space<vmem>>, vector<256x4xi32>
    %slice3A_178 = vector.extract_strided_slice %get3A_177 {offsets = [0, 0], sizes = [256, 1], strides = [1, 1]} : vector<256x4xi32> to vector<256x1xi32>
    %slice3A_179 = vector.extract_strided_slice %get3A_177 {offsets = [0, 1], sizes = [256, 1], strides = [1, 1]} : vector<256x4xi32> to vector<256x1xi32>
    %slice3A_180 = vector.extract_strided_slice %get3A_177 {offsets = [0, 2], sizes = [256, 1], strides = [1, 1]} : vector<256x4xi32> to vector<256x1xi32>
    %slice3A_181 = vector.extract_strided_slice %get3A_177 {offsets = [0, 3], sizes = [256, 1], strides = [1, 1]} : vector<256x4xi32> to vector<256x1xi32>
    %iota3A_182 = tpu.iota {dimensions = array<i32: 1>} : vector<256x1024xi32>
    %eq3A_183 = vector.broadcast %slice3A_178 : vector<256x1xi32> to vector<256x1024xi32>
    %eq3A_184 = arith.cmpi eq, %iota3A_182, %eq3A_183 : vector<256x1024xi32>
    %convert_element_type3A_185 = arith.extui %eq3A_184 : vector<256x1024xi1> to vector<256x1024xi32>
    %convert_element_type3A_186 = arith.sitofp %convert_element_type3A_185 : vector<256x1024xi32> to vector<256x1024xf32>
    %convert_element_type3A_187 = arith.truncf %convert_element_type3A_186 : vector<256x1024xf32> to vector<256x1024xbf16>
    %eq3A_188 = vector.broadcast %slice3A_180 : vector<256x1xi32> to vector<256x1024xi32>
    %eq3A_189 = arith.cmpi eq, %iota3A_182, %eq3A_188 : vector<256x1024xi32>
    %convert_element_type3A_190 = arith.extui %eq3A_189 : vector<256x1024xi1> to vector<256x1024xi32>
    %convert_element_type3A_191 = arith.sitofp %convert_element_type3A_190 : vector<256x1024xi32> to vector<256x1024xf32>
    %convert_element_type3A_192 = arith.truncf %convert_element_type3A_191 : vector<256x1024xf32> to vector<256x1024xbf16>
    %add3A_193 = arith.addf %convert_element_type3A_187, %convert_element_type3A_192 : vector<256x1024xbf16>
    %eq3A_194 = vector.broadcast %slice3A_179 : vector<256x1xi32> to vector<256x1024xi32>
    %eq3A_195 = arith.cmpi eq, %iota3A_182, %eq3A_194 : vector<256x1024xi32>
    %convert_element_type3A_196 = arith.extui %eq3A_195 : vector<256x1024xi1> to vector<256x1024xi32>
    %convert_element_type3A_197 = arith.sitofp %convert_element_type3A_196 : vector<256x1024xi32> to vector<256x1024xf32>
    %convert_element_type3A_198 = arith.truncf %convert_element_type3A_197 : vector<256x1024xf32> to vector<256x1024xbf16>
    %eq3A_199 = vector.broadcast %slice3A_181 : vector<256x1xi32> to vector<256x1024xi32>
    %eq3A_200 = arith.cmpi eq, %iota3A_182, %eq3A_199 : vector<256x1024xi32>
    %convert_element_type3A_201 = arith.extui %eq3A_200 : vector<256x1024xi1> to vector<256x1024xi32>
    %convert_element_type3A_202 = arith.sitofp %convert_element_type3A_201 : vector<256x1024xi32> to vector<256x1024xf32>
    %convert_element_type3A_203 = arith.truncf %convert_element_type3A_202 : vector<256x1024xf32> to vector<256x1024xbf16>
    %add3A_204 = arith.addf %convert_element_type3A_198, %convert_element_type3A_203 : vector<256x1024xbf16>
    %sub3A_205 = arith.subi %slice3A_181, %slice3A_179 : vector<256x1xi32>
    %eq3A_206 = vector.broadcast %sub3A_205 : vector<256x1xi32> to vector<256x1024xi32>
    %eq3A_207 = arith.cmpi eq, %iota3A_182, %eq3A_206 : vector<256x1024xi32>
    %convert_element_type3A_208 = arith.extui %eq3A_207 : vector<256x1024xi1> to vector<256x1024xi32>
    %convert_element_type3A_209 = arith.sitofp %convert_element_type3A_208 : vector<256x1024xi32> to vector<256x1024xf32>
    %convert_element_type3A_210 = arith.truncf %convert_element_type3A_209 : vector<256x1024xf32> to vector<256x1024xbf16>
    %sub3A_211 = arith.subi %slice3A_180, %slice3A_178 : vector<256x1xi32>
    %eq3A_212 = vector.broadcast %sub3A_211 : vector<256x1xi32> to vector<256x1024xi32>
    %eq3A_213 = arith.cmpi eq, %iota3A_182, %eq3A_212 : vector<256x1024xi32>
    %convert_element_type3A_214 = arith.extui %eq3A_213 : vector<256x1024xi1> to vector<256x1024xi32>
    %convert_element_type3A_215 = arith.sitofp %convert_element_type3A_214 : vector<256x1024xi32> to vector<256x1024xf32>
    %convert_element_type3A_216 = arith.truncf %convert_element_type3A_215 : vector<256x1024xf32> to vector<256x1024xbf16>
    %concatenate3A_217 = tpu.concatenate %add3A_193, %add3A_204, %convert_element_type3A_210, %convert_element_type3A_216 in 1 : vector<256x1024xbf16>, vector<256x1024xbf16>, vector<256x1024xbf16>, vector<256x1024xbf16> -> vector<256x4096xbf16>
    %get3A_218 = arith.constant 512 : index
    %get3A_219 = arith.constant 0 : index
    %get3A_220 = vector.load %arg2[%get3A_218, %get3A_219] : memref<1024x768xf32, #tpu.memory_space<vmem>>, vector<256x768xf32>
    %get3A_221 = arith.constant 0 : index
    %get3A_222 = arith.constant 0 : index
    %get3A_223 = vector.load %arg4[%get3A_221, %get3A_222] : memref<512x768xf32, #tpu.memory_space<vmem>>, vector<256x768xf32>
    %add3A_224 = arith.addf %get3A_220, %get3A_223 : vector<256x768xf32>
    %get3A_225 = arith.constant 0 : index
    %get3A_226 = arith.constant 0 : index
    %get3A_227 = vector.load %arg5[%get3A_225, %get3A_226] : memref<2x768xf32, #tpu.memory_space<vmem>>, vector<1x768xf32>
    %add3A_228 = vector.broadcast %get3A_227 : vector<1x768xf32> to vector<256x768xf32>
    %add3A_229 = arith.addf %add3A_224, %add3A_228 : vector<256x768xf32>
    %get3A_230 = arith.constant 0 : index
    %get3A_231 = arith.constant 0 : index
    %get3A_232 = vector.load %arg3[%get3A_230, %get3A_231] : memref<4096x768xbf16, #tpu.memory_space<vmem>>, vector<4096x768xbf16>
    %dot_general3A_233 = arith.constant dense<0.000000e+00> : vector<256x768xf32>
    %dot_general3A_234 = tpu.matmul %concatenate3A_217, %get3A_232, %dot_general3A_233 {dimension_numbers = #tpu.dot_dimension_numbers<[1], [0], [0], [1], [0, 0, 1, 1], [], []>, transpose_lhs_hint = false} : vector<256x4096xbf16>, vector<4096x768xbf16>, vector<256x768xf32> -> vector<256x768xf32>
    %add3A_235 = arith.addf %add3A_229, %dot_general3A_234 : vector<256x768xf32>
    %reduce_sum3A_236 = arith.constant dense<0.000000e+00> : vector<256xf32>
    %reduce_sum3A_237 = vector.multi_reduction <add>, %add3A_235, %reduce_sum3A_236 [1] : vector<256x768xf32> to vector<256xf32>
    %broadcast_in_dim3A_238 = vector.shape_cast %reduce_sum3A_237 : vector<256xf32> to vector<256x1xf32>
    %div3A_239 = arith.constant 7.680000e+02 : f32
    %div3A_240 = vector.broadcast %div3A_239 : f32 to vector<256x1xf32>
    %div3A_241 = arith.divf %broadcast_in_dim3A_238, %div3A_240 : vector<256x1xf32>
    %sub3A_242 = vector.broadcast %div3A_241 : vector<256x1xf32> to vector<256x768xf32>
    %sub3A_243 = arith.subf %add3A_235, %sub3A_242 : vector<256x768xf32>
    %mul3A_244 = arith.mulf %sub3A_243, %sub3A_243 : vector<256x768xf32>
    %reduce_sum3A_245 = arith.constant dense<0.000000e+00> : vector<256xf32>
    %reduce_sum3A_246 = vector.multi_reduction <add>, %mul3A_244, %reduce_sum3A_245 [1] : vector<256x768xf32> to vector<256xf32>
    %broadcast_in_dim3A_247 = vector.shape_cast %reduce_sum3A_246 : vector<256xf32> to vector<256x1xf32>
    %div3A_248 = arith.constant 7.680000e+02 : f32
    %div3A_249 = vector.broadcast %div3A_248 : f32 to vector<256x1xf32>
    %div3A_250 = arith.divf %broadcast_in_dim3A_247, %div3A_249 : vector<256x1xf32>
    %add3A_251 = arith.constant 9.99999996E-13 : f32
    %add3A_252 = vector.broadcast %add3A_251 : f32 to vector<256x1xf32>
    %add3A_253 = arith.addf %div3A_250, %add3A_252 : vector<256x1xf32>
    %rsqrt3A_254 = math.rsqrt %add3A_253 : vector<256x1xf32>
    %mul3A_255 = vector.broadcast %rsqrt3A_254 : vector<256x1xf32> to vector<256x768xf32>
    %mul3A_256 = arith.mulf %sub3A_243, %mul3A_255 : vector<256x768xf32>
    %get3A_257 = arith.constant 0 : index
    %get3A_258 = arith.constant 0 : index
    %get3A_259 = vector.load %arg6[%get3A_257, %get3A_258] : memref<1x768xf32, #tpu.memory_space<vmem>>, vector<1x768xf32>
    %mul3A_260 = vector.broadcast %get3A_259 : vector<1x768xf32> to vector<256x768xf32>
    %mul3A_261 = arith.mulf %mul3A_256, %mul3A_260 : vector<256x768xf32>
    %get3A_262 = arith.constant 0 : index
    %get3A_263 = arith.constant 0 : index
    %get3A_264 = vector.load %arg7[%get3A_262, %get3A_263] : memref<1x768xf32, #tpu.memory_space<vmem>>, vector<1x768xf32>
    %add3A_265 = vector.broadcast %get3A_264 : vector<1x768xf32> to vector<256x768xf32>
    %add3A_266 = arith.addf %mul3A_261, %add3A_265 : vector<256x768xf32>
    %swap3A_267 = arith.constant 512 : index
    %swap3A_268 = arith.constant 0 : index
    %swap3A_269 = vector.load %arg8[%swap3A_267, %swap3A_268] : memref<1024x768xf32, #tpu.memory_space<vmem>>, vector<256x768xf32>
    tpu.vector_store %arg8[%swap3A_267, %swap3A_268], %add3A_266 {strides = array<i32>} : memref<1024x768xf32, #tpu.memory_space<vmem>>, vector<256x768xf32>,
    %get3A_270 = arith.constant 768 : index
    %get3A_271 = arith.constant 0 : index
    %get3A_272 = vector.load %arg1[%get3A_270, %get3A_271] : memref<1024x4xi32, #tpu.memory_space<vmem>>, vector<256x4xi32>
    %slice3A_273 = vector.extract_strided_slice %get3A_272 {offsets = [0, 0], sizes = [256, 1], strides = [1, 1]} : vector<256x4xi32> to vector<256x1xi32>
    %slice3A_274 = vector.extract_strided_slice %get3A_272 {offsets = [0, 1], sizes = [256, 1], strides = [1, 1]} : vector<256x4xi32> to vector<256x1xi32>
    %slice3A_275 = vector.extract_strided_slice %get3A_272 {offsets = [0, 2], sizes = [256, 1], strides = [1, 1]} : vector<256x4xi32> to vector<256x1xi32>
    %slice3A_276 = vector.extract_strided_slice %get3A_272 {offsets = [0, 3], sizes = [256, 1], strides = [1, 1]} : vector<256x4xi32> to vector<256x1xi32>
    %iota3A_277 = tpu.iota {dimensions = array<i32: 1>} : vector<256x1024xi32>
    %eq3A_278 = vector.broadcast %slice3A_273 : vector<256x1xi32> to vector<256x1024xi32>
    %eq3A_279 = arith.cmpi eq, %iota3A_277, %eq3A_278 : vector<256x1024xi32>
    %convert_element_type3A_280 = arith.extui %eq3A_279 : vector<256x1024xi1> to vector<256x1024xi32>
    %convert_element_type3A_281 = arith.sitofp %convert_element_type3A_280 : vector<256x1024xi32> to vector<256x1024xf32>
    %convert_element_type3A_282 = arith.truncf %convert_element_type3A_281 : vector<256x1024xf32> to vector<256x1024xbf16>
    %eq3A_283 = vector.broadcast %slice3A_275 : vector<256x1xi32> to vector<256x1024xi32>
    %eq3A_284 = arith.cmpi eq, %iota3A_277, %eq3A_283 : vector<256x1024xi32>
    %convert_element_type3A_285 = arith.extui %eq3A_284 : vector<256x1024xi1> to vector<256x1024xi32>
    %convert_element_type3A_286 = arith.sitofp %convert_element_type3A_285 : vector<256x1024xi32> to vector<256x1024xf32>
    %convert_element_type3A_287 = arith.truncf %convert_element_type3A_286 : vector<256x1024xf32> to vector<256x1024xbf16>
    %add3A_288 = arith.addf %convert_element_type3A_282, %convert_element_type3A_287 : vector<256x1024xbf16>
    %eq3A_289 = vector.broadcast %slice3A_274 : vector<256x1xi32> to vector<256x1024xi32>
    %eq3A_290 = arith.cmpi eq, %iota3A_277, %eq3A_289 : vector<256x1024xi32>
    %convert_element_type3A_291 = arith.extui %eq3A_290 : vector<256x1024xi1> to vector<256x1024xi32>
    %convert_element_type3A_292 = arith.sitofp %convert_element_type3A_291 : vector<256x1024xi32> to vector<256x1024xf32>
    %convert_element_type3A_293 = arith.truncf %convert_element_type3A_292 : vector<256x1024xf32> to vector<256x1024xbf16>
    %eq3A_294 = vector.broadcast %slice3A_276 : vector<256x1xi32> to vector<256x1024xi32>
    %eq3A_295 = arith.cmpi eq, %iota3A_277, %eq3A_294 : vector<256x1024xi32>
    %convert_element_type3A_296 = arith.extui %eq3A_295 : vector<256x1024xi1> to vector<256x1024xi32>
    %convert_element_type3A_297 = arith.sitofp %convert_element_type3A_296 : vector<256x1024xi32> to vector<256x1024xf32>
    %convert_element_type3A_298 = arith.truncf %convert_element_type3A_297 : vector<256x1024xf32> to vector<256x1024xbf16>
    %add3A_299 = arith.addf %convert_element_type3A_293, %convert_element_type3A_298 : vector<256x1024xbf16>
    %sub3A_300 = arith.subi %slice3A_276, %slice3A_274 : vector<256x1xi32>
    %eq3A_301 = vector.broadcast %sub3A_300 : vector<256x1xi32> to vector<256x1024xi32>
    %eq3A_302 = arith.cmpi eq, %iota3A_277, %eq3A_301 : vector<256x1024xi32>
    %convert_element_type3A_303 = arith.extui %eq3A_302 : vector<256x1024xi1> to vector<256x1024xi32>
    %convert_element_type3A_304 = arith.sitofp %convert_element_type3A_303 : vector<256x1024xi32> to vector<256x1024xf32>
    %convert_element_type3A_305 = arith.truncf %convert_element_type3A_304 : vector<256x1024xf32> to vector<256x1024xbf16>
    %sub3A_306 = arith.subi %slice3A_275, %slice3A_273 : vector<256x1xi32>
    %eq3A_307 = vector.broadcast %sub3A_306 : vector<256x1xi32> to vector<256x1024xi32>
    %eq3A_308 = arith.cmpi eq, %iota3A_277, %eq3A_307 : vector<256x1024xi32>
    %convert_element_type3A_309 = arith.extui %eq3A_308 : vector<256x1024xi1> to vector<256x1024xi32>
    %convert_element_type3A_310 = arith.sitofp %convert_element_type3A_309 : vector<256x1024xi32> to vector<256x1024xf32>
    %convert_element_type3A_311 = arith.truncf %convert_element_type3A_310 : vector<256x1024xf32> to vector<256x1024xbf16>
    %concatenate3A_312 = tpu.concatenate %add3A_288, %add3A_299, %convert_element_type3A_305, %convert_element_type3A_311 in 1 : vector<256x1024xbf16>, vector<256x1024xbf16>, vector<256x1024xbf16>, vector<256x1024xbf16> -> vector<256x4096xbf16>
    %get3A_313 = arith.constant 768 : index
    %get3A_314 = arith.constant 0 : index
    %get3A_315 = vector.load %arg2[%get3A_313, %get3A_314] : memref<1024x768xf32, #tpu.memory_space<vmem>>, vector<256x768xf32>
    %get3A_316 = arith.constant 256 : index
    %get3A_317 = arith.constant 0 : index
    %get3A_318 = vector.load %arg4[%get3A_316, %get3A_317] : memref<512x768xf32, #tpu.memory_space<vmem>>, vector<256x768xf32>
    %add3A_319 = arith.addf %get3A_315, %get3A_318 : vector<256x768xf32>
    %get3A_320 = arith.constant 0 : index
    %get3A_321 = arith.constant 0 : index
    %get3A_322 = vector.load %arg5[%get3A_320, %get3A_321] : memref<2x768xf32, #tpu.memory_space<vmem>>, vector<1x768xf32>
    %add3A_323 = vector.broadcast %get3A_322 : vector<1x768xf32> to vector<256x768xf32>
    %add3A_324 = arith.addf %add3A_319, %add3A_323 : vector<256x768xf32>
    %get3A_325 = arith.constant 0 : index
    %get3A_326 = arith.constant 0 : index
    %get3A_327 = vector.load %arg3[%get3A_325, %get3A_326] : memref<4096x768xbf16, #tpu.memory_space<vmem>>, vector<4096x768xbf16>
    %dot_general3A_328 = arith.constant dense<0.000000e+00> : vector<256x768xf32>
    %dot_general3A_329 = tpu.matmul %concatenate3A_312, %get3A_327, %dot_general3A_328 {dimension_numbers = #tpu.dot_dimension_numbers<[1], [0], [0], [1], [0, 0, 1, 1], [], []>, transpose_lhs_hint = false} : vector<256x4096xbf16>, vector<4096x768xbf16>, vector<256x768xf32> -> vector<256x768xf32>
    %add3A_330 = arith.addf %add3A_324, %dot_general3A_329 : vector<256x768xf32>
    %reduce_sum3A_331 = arith.constant dense<0.000000e+00> : vector<256xf32>
    %reduce_sum3A_332 = vector.multi_reduction <add>, %add3A_330, %reduce_sum3A_331 [1] : vector<256x768xf32> to vector<256xf32>
    %broadcast_in_dim3A_333 = vector.shape_cast %reduce_sum3A_332 : vector<256xf32> to vector<256x1xf32>
    %div3A_334 = arith.constant 7.680000e+02 : f32
    %div3A_335 = vector.broadcast %div3A_334 : f32 to vector<256x1xf32>
    %div3A_336 = arith.divf %broadcast_in_dim3A_333, %div3A_335 : vector<256x1xf32>
    %sub3A_337 = vector.broadcast %div3A_336 : vector<256x1xf32> to vector<256x768xf32>
    %sub3A_338 = arith.subf %add3A_330, %sub3A_337 : vector<256x768xf32>
    %mul3A_339 = arith.mulf %sub3A_338, %sub3A_338 : vector<256x768xf32>
    %reduce_sum3A_340 = arith.constant dense<0.000000e+00> : vector<256xf32>
    %reduce_sum3A_341 = vector.multi_reduction <add>, %mul3A_339, %reduce_sum3A_340 [1] : vector<256x768xf32> to vector<256xf32>
    %broadcast_in_dim3A_342 = vector.shape_cast %reduce_sum3A_341 : vector<256xf32> to vector<256x1xf32>
    %div3A_343 = arith.constant 7.680000e+02 : f32
    %div3A_344 = vector.broadcast %div3A_343 : f32 to vector<256x1xf32>
    %div3A_345 = arith.divf %broadcast_in_dim3A_342, %div3A_344 : vector<256x1xf32>
    %add3A_346 = arith.constant 9.99999996E-13 : f32
    %add3A_347 = vector.broadcast %add3A_346 : f32 to vector<256x1xf32>
    %add3A_348 = arith.addf %div3A_345, %add3A_347 : vector<256x1xf32>
    %rsqrt3A_349 = math.rsqrt %add3A_348 : vector<256x1xf32>
    %mul3A_350 = vector.broadcast %rsqrt3A_349 : vector<256x1xf32> to vector<256x768xf32>
    %mul3A_351 = arith.mulf %sub3A_338, %mul3A_350 : vector<256x768xf32>
    %get3A_352 = arith.constant 0 : index
    %get3A_353 = arith.constant 0 : index
    %get3A_354 = vector.load %arg6[%get3A_352, %get3A_353] : memref<1x768xf32, #tpu.memory_space<vmem>>, vector<1x768xf32>
    %mul3A_355 = vector.broadcast %get3A_354 : vector<1x768xf32> to vector<256x768xf32>
    %mul3A_356 = arith.mulf %mul3A_351, %mul3A_355 : vector<256x768xf32>
    %get3A_357 = arith.constant 0 : index
    %get3A_358 = arith.constant 0 : index
    %get3A_359 = vector.load %arg7[%get3A_357, %get3A_358] : memref<1x768xf32, #tpu.memory_space<vmem>>, vector<1x768xf32>
    %add3A_360 = vector.broadcast %get3A_359 : vector<1x768xf32> to vector<256x768xf32>
    %add3A_361 = arith.addf %mul3A_356, %add3A_360 : vector<256x768xf32>
    %swap3A_362 = arith.constant 768 : index
    %swap3A_363 = arith.constant 0 : index
    %swap3A_364 = vector.load %arg8[%swap3A_362, %swap3A_363] : memref<1024x768xf32, #tpu.memory_space<vmem>>, vector<256x768xf32>
    tpu.vector_store %arg8[%swap3A_362, %swap3A_363], %add3A_361 {strides = array<i32>} : memref<1024x768xf32, #tpu.memory_space<vmem>>, vector<256x768xf32>,
    return
  }
  func.func @transform_0(%arg0: i32) -> (i32, i32) {
    %c0_i32 = arith.constant 0 : i32
    %c0_i32_0 = arith.constant 0 : i32
    return %arg0, %c0_i32 : i32, i32
  }
  func.func @transform_1(%arg0: i32) -> (i32, i32) {
    %c0_i32 = arith.constant 0 : i32
    %c0_i32_0 = arith.constant 0 : i32
    return %arg0, %c0_i32 : i32, i32
  }
  func.func @transform_2(%arg0: i32) -> (i32, i32) {
    %c0_i32 = arith.constant 0 : i32
    %c0_i32_0 = arith.constant 0 : i32
    %c0_i32_1 = arith.constant 0 : i32
    return %c0_i32, %c0_i32_0 : i32, i32
  }
  func.func @transform_3(%arg0: i32) -> (i32, i32) {
    %c0_i32 = arith.constant 0 : i32
    %c0_i32_0 = arith.constant 0 : i32
    %c0_i32_1 = arith.constant 0 : i32
    return %c0_i32, %c0_i32_0 : i32, i32
  }
  func.func @transform_4(%arg0: i32) -> (i32, i32) {
    %c0_i32 = arith.constant 0 : i32
    %c0_i32_0 = arith.constant 0 : i32
    %c0_i32_1 = arith.constant 0 : i32
    return %c0_i32, %c0_i32_0 : i32, i32
  }
  func.func @transform_5(%arg0: i32) -> (i32, i32) {
    %c0_i32 = arith.constant 0 : i32
    %c0_i32_0 = arith.constant 0 : i32
    %c0_i32_1 = arith.constant 0 : i32
    return %c0_i32, %c0_i32_0 : i32, i32
  }
  func.func @transform_6(%arg0: i32) -> (i32, i32) {
    %c0_i32 = arith.constant 0 : i32
    %c0_i32_0 = arith.constant 0 : i32
    %c0_i32_1 = arith.constant 0 : i32
    return %c0_i32, %c0_i32_0 : i32, i32
  }
  func.func @transform_7(%arg0: i32) -> (i32, i32) {
    %c0_i32 = arith.constant 0 : i32
    %c0_i32_0 = arith.constant 0 : i32
    return %arg0, %c0_i32 : i32, i32
  }
}

</mosaic_0001>

<sc_bundles>
// kernel: kernel.4.cloned.1.call-start
scs
__scs_entry_jumppad:
0x0: {  	(pc) =	sbr.rel $0x88, $3  }
0x1: {  	(tag) =	ssettag $0x0;
	lr =	simm.s32 $0x1  }
0x2: {  	[smem:$0x3F96] =	sst lr;
	_ =	strace $0xD0000000  }
0x3: {  	_ = 	snop  }
0x4: {  	_ = 	snop  }
0x5: {  	_ = 	snop  }
0x6: {  	_ = 	snop  }
0x7: {  	_ = 	snop  }
__scs_overlays_trampoline_lowered:
0x8: {  	[smem:$0x3FA5] =	sst s0  }
0x9: {  	[smem:$0x3FA6] =	sst s1  }
0xa: {  	[smem:$0x3FA7] =	sst s2  }
0xb: {  	[smem:$0x3FA8] =	sst s3  }
0xc: {  	[smem:$0x3FA9] =	sst s4  }
0xd: {  	[smem:$0x3FAA] =	sst s5  }
0xe: {  	[smem:$0x3FAB] =	sst s6  }
0xf: {  	[smem:$0x3FAC] =	sst s7  }
0x10: {  	[smem:$0x3FAD] =	sst s8  }
0x11: {  	[smem:$0x3FAE] =	sst s9;
	s0 =	simm.s32 @!p0 $0x0  }
0x12: {  	s1 =	sld [smem:$0x3F94];
	s0 =	simm.s32 @p0 $0x1  }
0x13: {  	[smem:$0x3FAF] =	sst s0;
	s0 =	simm.s32 @!p1 $0x0  }
0x14: {  	s2 =	sld [smem:$0x3F93];
	s0 =	simm.s32 @p1 $0x1  }
0x15: {  	[smem:$0x3FB0] =	sst s0;
	s0 =	simm.s32 @!p2 $0x0  }
0x16: {  	s3 =	sld [smem:$0x3FDB];
	s0 =	simm.s32 @p2 $0x1  }
0x17: {  	s4 =	simm.s32 $0x1BF5;
	[smem:$0x3FB2] =	sst s0  }
0x18: {  	s0 =	sld [smem:$0x3F95];
	_ =	swait.ge [sflag:s4], $0x0  }
0x19: {  	s7 =	sld [smem:$0x3F96]  }
0x1a: {  	s8 =	sadd.s32 $0xFFFFE003, lr  }
0x1b: {  	s9 =	sadd.s32 $0xFFFFFEF7, lr;
	s5 =	simm.s32 $0xFFFFFFFF;
	p2 =	slt.u32 s8, $0xFFFFF086  }
0x1c: {  	p1 =	slt.u32 s9, $0xF7A;
	s5 =	simm.s32 @!p2 $0x0  }
0x1d: {  	s5 =	simm.s32 @p1 $0x1;
	p0 =	seq.s32 s7, s2  }
0x1e: {  	s7 =	smul.u32 @!p0 $0xF7A, s2;
	p2 =	seq.s32 @!p0 s5, $0x0  }
0x1f: {  	s9 =	smul.u32 $0xF7A, s1;
	s8 =	simm.s32 @!p0 $0x1BF5;
	p2 =	por !p2, p0  }
0x20: {  	[sflag:s8] =	ssyncset.s32 @!p0 $0xFFFFF086;
	s6 =	sadd.s32 @!p0 s3, s7;
	s7 =	simm.s32 @!p0 $0x108  }
0x21: {  	s3 =	sadd.s32 s3, s9;
	s6 =	sadd.s32 @!p0 $0x88, s6;
	s7 =	simm.s32 @p2 $0x1082  }
0x22: {  	[simem:s7], [sflag:s8] =	dma.local @!p0 [hbm:s6], $0xF7A  }
0x23: {  	s9 =	sor.u32 $0xD0000000, s2;
	s6 =	simm.s32 $0x108;
	_ =	swait.ge @!p0 [sflag:s8], $0x0  }
0x24: {  	s3 =	sadd.s32 $0x88, s3;
	s6 =	simm.s32 @!p1 $0x1082;
	[sflag:s4] =	ssyncset.s32 $0xFFFFF086  }
0x25: {  	[simem:s6], [sflag:s4] =	dma.local [hbm:s3], $0xF7A  }
0x26: {  	[smem:$0x3F96] =	sst s1;
	(tag) =	ssettag s2;
	_ =	strace s9  }
0x27: {  	s1 =	sld [smem:$0x3FA6]  }
0x28: {  	s2 =	sld [smem:$0x3FA7]  }
0x29: {  	s4 =	sld [smem:$0x3FA9]  }
0x2a: {  	p0 =	seq.s32 s5, $0x0;
	s5 =	sld [smem:$0x3FAA]  }
0x2b: {  	s6 =	sld [smem:$0x3FAB]  }
0x2c: {  	s7 =	sld [smem:$0x3FAC]  }
0x2d: {  	s3 =	simm.s32 $0x108;
	s8 =	sld [smem:$0x3FAD]  }
0x2e: {  	s3 =	simm.s32 @!p0 $0x1082;
	s9 =	sld [smem:$0x3FAE]  }
0x2f: {  	lr =	sadd.s32 s0, s3;
	s0 =	sld [smem:$0x3FA5]  }
0x30: {  	s3 =	sld [smem:$0x3FA8]  }
0x31: {  	[smem:$0x3FB1] =	sst s10  }
0x32: {  	s10 =	sld [smem:$0x3FAF];
	_ =	sdelay $0x3  }
0x33: {  	p0 =	seq.s32 s10, $0x1;
	s10 =	sld [smem:$0x3FB1];
	_ =	sdelay $0x3  }
0x34: {  	[smem:$0x3FB1] =	sst s10  }
0x35: {  	s10 =	sld [smem:$0x3FB0];
	_ =	sdelay $0x3  }
0x36: {  	p1 =	seq.s32 s10, $0x1;
	s10 =	sld [smem:$0x3FB1];
	_ =	sdelay $0x3  }
0x37: {  	[smem:$0x3FB1] =	sst s10  }
0x38: {  	s10 =	sld [smem:$0x3FB2]  }
0x39: {  	_ = 	snop;
	(pc) =	sbr.ind lr, $3  }
0x3a: {  	_ = 	snop  }
0x3b: {  	_ = 	snop  }
0x3c: {  	p2 =	seq.s32 s10, $0x1;
	s10 =	sld [smem:$0x3FB1]  }
0x3d: {  	_ =	shalt  }
0x3e: {  	_ =	shalt  }
0x3f: {  	_ =	shalt  }
0x40: {  	_ =	shalt  }
0x41: {  	_ =	shalt  }
0x42: {  	_ =	shalt  }
0x43: {  	_ =	shalt  }
0x44: {  	_ =	shalt  }
0x45: {  	_ =	shalt  }
0x46: {  	_ =	shalt  }
0x47: {  	_ =	shalt  }
0x48: {  	_ =	shalt  }
0x49: {  	_ =	shalt  }
0x4a: {  	_ =	shalt  }
0x4b: {  	_ =	shalt  }
0x4c: {  	_ =	shalt  }
0x4d: {  	_ =	shalt  }
0x4e: {  	_ =	shalt  }
0x4f: {  	_ =	shalt  }
0x50: {  	_ =	shalt  }
0x51: {  	_ =	shalt  }
0x52: {  	_ =	shalt  }
0x53: {  	_ =	shalt  }
0x54: {  	_ =	shalt  }
0x55: {  	_ =	shalt  }
0x56: {  	_ =	shalt  }
0x57: {  	_ =	shalt  }
0x58: {  	_ =	shalt  }
0x59: {  	_ =	shalt  }
0x5a: {  	_ =	shalt  }
0x5b: {  	_ =	shalt  }
0x5c: {  	_ =	shalt  }
0x5d: {  	_ =	shalt  }
0x5e: {  	_ =	shalt  }
0x5f: {  	_ =	shalt  }
0x60: {  	_ =	shalt  }
0x61: {  	_ =	shalt  }
0x62: {  	_ =	shalt  }
0x63: {  	_ =	shalt  }
0x64: {  	_ =	shalt  }
0x65: {  	_ =	shalt  }
0x66: {  	_ =	shalt  }
0x67: {  	_ =	shalt  }
0x68: {  	_ =	shalt  }
0x69: {  	_ =	shalt  }
0x6a: {  	_ =	shalt  }
0x6b: {  	_ =	shalt  }
0x6c: {  	_ =	shalt  }
0x6d: {  	_ =	shalt  }
0x6e: {  	_ =	shalt  }
0x6f: {  	_ =	shalt  }
0x70: {  	_ =	shalt  }
0x71: {  	_ =	shalt  }
0x72: {  	_ =	shalt  }
0x73: {  	_ =	shalt  }
0x74: {  	_ =	shalt  }
0x75: {  	_ =	shalt  }
0x76: {  	_ =	shalt  }
0x77: {  	_ =	shalt  }
0x78: {  	_ =	shalt  }
0x79: {  	_ =	shalt  }
0x7a: {  	_ =	shalt  }
0x7b: {  	_ =	shalt  }
0x7c: {  	_ =	shalt  }
0x7d: {  	_ =	shalt  }
0x7e: {  	_ =	shalt  }
0x7f: {  	_ =	shalt  }
0x80: {  	_ =	shalt  }
0x81: {  	_ =	shalt  }
0x82: {  	_ =	shalt  }
0x83: {  	_ =	shalt  }
0x84: {  	_ =	shalt  }
0x85: {  	_ =	shalt  }
0x86: {  	_ =	shalt  }
0x87: {  	_ =	shalt  }
.Lfunc_end0:
.L_simem_size_0:
called_computation_lowered:
.L_overlay_start_0:
0x88: {  	s2 =	sld [smem:$0x3FD9]  }
0x89: {  	s3 =	sld [smem:$0x3FFE];
	_ =	sdelay $0x1  }
0x8a: {  	s1 =	srdreg.scid  }
0x8b: {  	s0 =	sand.u32 $0x1, s1  }
0x8c: {  	s17 =	sshll.u32 s0, $0xA;
	s2 =	sadd.s32 s3, s2  }
0x8d: {  	s2 =	sadd.s32 s2, s17  }
0x8e: {  	[smem:$0x3FBD] =	sst s2  }
0x8f: {  	_ = 	snop  }
0x90: {  	s2 =	sld [smem:$0x3FC7]  }
0x91: {  	s18 =	sld [smem:$0x3FD0];
	(tm) =	ssettm $0x1  }
0x92: {  	s4 =	sld [smem:$0x3FFB];
	_ =	sdelay $0x3  }
0x93: {  	_ =	strace s4  }
0x94: {  	s4 =	sld [smem:$0x3FFC];
	_ =	sdelay $0x3  }
0x95: {  	_ =	strace s4  }
0x96: {  	s4 =	sld [smem:$0x3FFD];
	_ =	sdelay $0x3  }
0x97: {  	_ =	strace s4  }
0x98: {  	_ =	strace $0x8FFFFFFF  }
0x99: {  	s19 =	sld [smem:$0x3FDB];
	_ =	sdelay $0x1  }
0x9a: {  	s5 =	simm.s32 $_scs_section_size  }
0x9b: {  	s6 =	simm.s32 $_size__tile_overlayer_lowered;
	s7 =	simm.s32 $_tile_overlayer_lowered  }
0x9c: {  	s22 =	simm.s32 $0x1BFF;
	s21 =	sshll.u32 s7, $0x1;
	s4 =	sadd.s32 s5, s19  }
0x9d: {  	s8 =	simm.s32 $0x0;
	s20 =	sshll.u32 s6, $0x1;
	s6 =	sadd.s32 s21, s4  }
0x9e: {  	[timem:s8], [sflag:s22] =	dma.local [hbm:s6], s20  }
0x9f: {  	_ =	swait.ge [sflag:s22], s20  }
0xa0: {  	s5 =	ssub.s32 $0x0, s20;
	[sflag:s22] =	ssyncset.done $0x0  }
0xa1: {  	[sflag:s22] =	ssyncadd.s32 s5;
	_ =	sdelay $0x1  }
0xa2: {  	s23 =	simm.s32 $0x1B8B  }
0xa3: {  	_ =	swait.ge [sflag:s23], $0x1  }
0xa4: {  	[sflag:s23] =	ssyncset.done $0x0  }
0xa5: {  	s25 =	simm.s32 $0x1B8E;
	s24 =	sld [smem:$0x3FFE];
	[sflag:s23] =	ssyncadd.s32 $0xFFFFFFFF  }
0xa6: {  	s26 =	simm.s32 $execute0_lowered;
	[smem:$0x3FD2] =	sst s25  }
0xa7: {  	s6 =	sshll.u32 s26, $0x1;
	_ =	strace $0x80000046;
	[dreg:$0x1] =	wrdreg $0xFFFFFFFF  }
0xa8: {  	s28 =	simm.s32 $_size_execute0_lowered;
	s4 =	sadd.s32 s4, s6;
	[dreg:$0x0] =	wrdreg $0x0  }
0xa9: {  	s6 =	sshll.u32 s28, $0x1;
	[dreg:$0x2] =	wrdreg s4  }
0xaa: {  	[dreg:$0x3] =	wrdreg s6  }
0xab: {  	[dreg:$0x4] =	wrdreg $0xC0  }
0xac: {  	_ =	task [dreg:s8], $0x5FFFF  }
0xad: {  	[dreg:$0x1] =	wrdreg $0xFFFFFFFF  }
0xae: {  	[dreg:$0x0] =	wrdreg $0x60  }
0xaf: {  	[dreg:$0x2] =	wrdreg s2  }
0xb0: {  	[dreg:$0x3] =	wrdreg s18  }
0xb1: {  	[dreg:$0x4] =	wrdreg s24  }
0xb2: {  	[dreg:$0x5] =	wrdreg $0x9  }
0xb3: {  	_ =	task.clear_ibuf [dreg:s8], $0x6FFFF;
	_ =	strace $0x90000046  }
0xb4: {  	s29 =	simm.s32 $0x9;
	_ =	strace $0x80000048  }
0xb5: {  	_ =	swait.ge [sflag:s29], $0x1  }
0xb6: {  	[sflag:s29] =	ssyncadd.s32 $0xFFFFFFFF  }
0xb7: {  	_ =	strace $0x90000048  }
0xb8: {  	_ =	sfence  }
0xb9: {  	s30 =	sld [smem:$0x0];
	_ =	sdelay $0x2  }
0xba: {  	s31 =	sshll.u32 s1, $0xD;
	s1 =	sshrl.u32 s1, $0x2  }
0xbb: {  	s3 =	sand.u32 $0x4000, s31;
	s1 =	sadd.s32 s1, s30  }
0xbc: {  	s0 =	sor.u32 s3, s0;
	s1 =	sshll.u32 s1, $0x11  }
0xbd: {  	s0 =	sor.u32 s1, s0  }
0xbe: {  	s0 =	sadd.s32 $0x8F2B, s0  }
0xbf: {  	[sflag:s0] =	ssyncadd.remote.s32 $0x1  }
0xc0: {  	_ =	sfence.sel $0xFFFF  }
0xc1: {  	[dreg:$0x0] =	wrdreg $0xFFFFFFFF;
	(pc) =	sbr.abs _section_cstart, $3  }
0xc2: {  	[dreg:$0x1] =	wrdreg $0xFFFFFFFF  }
0xc3: {  	_ =	task.clear_ibuf [dreg:s8], $0x2FFFF;
	_ =	strace $0x9FFFFFFF  }
0xc4: {  	(tm) =	ssettm $0x7FFFFFFF  }
0xc5: {  	_ =	shalt  }
tec
execute0_lowered:
.L_overlay_start_1:
0x0: {  	(tag) =	ssettag $0x1  }
0x1: {  	s1 =	rddreg [dreg:$0x0]  }
0x2: {  	s0 =	srdreg.scid;
	s4 =	rddreg [dreg:$0x1]  }
0x3: {  	s2 =	stileid.u32;
	s5 =	rddreg [dreg:$0x2]  }
0x4: {  	s10 =	simm.s32 $0x400;
	s16 =	simm.s32 $0xFC00;
	s17 =	simm.s32 $0x10400  }
0x5: {  	s18 =	simm.s32 $0x10C00;
	s19 =	simm.s32 $0x11400;
	s20 =	simm.s32 $0x11C00  }
0x6: {  	s21 =	simm.s32 $0x12400;
	s22 =	simm.s32 $0x12C00;
	s23 =	simm.s32 $0x13400  }
0x7: {  	s24 =	simm.s32 $0x13C00;
	s25 =	simm.s32 $0x14400;
	s28 =	simm.s32 $0x15400  }
0x8: {  	s29 =	simm.s32 $0x15C00;
	s30 =	simm.s32 $0x16400;
	s31 =	simm.s32 $0x16C00  }
0x9: {  	s9 =	simm.s32 $0x2;
	s11 =	simm.s32 $0x3;
	s0 =	sand.u32 $0x1, s0  }
0xa: {  	s12 =	simm.s32 $0x4;
	s2 =	sshll.u32 s2, $0xB;
	s3 =	sshll.u32 s0, $0xA  }
0xb: {  	s14 =	simm.s32 $0x0;
	s0 =	ssub.s32 $0x2, s0;
	s2 =	sor.u32 s3, s2  }
0xc: {  	s3 =	simm.s32 $0x0;
	s26 =	sshrl.u32 s0, $0x1;
	s2 =	sshrl.u32 s2, $0x3  }
0xd: {  	[smem:$0x7FF] =	sst s3;
	s0 =	ssub.s32 s0, s26;
	s6 =	smul.u32 $0x300, s2  }
.Ltmp0:
0xe: {  	s26 =	simm.s32 $0x14C00;
	s2 =	sadd.s32 s4, s2;
	(pc) =	sbr.rel .LBB2_1-.Ltmp0, $4  }
0xf: {  	_ =	strace $0x80000047;
	s0 =	smax.u32 s0, $0x1;
	[dreg:$0x4] =	wrdreg s2  }
0x10: {  	v2 =	vlaneseq.u32;
	s4 =	simm.s32 $0x1;
	[dreg:$0x5] =	wrdreg s0;
	s2 =	simm.s32 $0x17400  }
0x11: {  	vm0 =	vmmov $0xffff;
	v1 =	vshrl.u32 v2, $0x3;
	s0 =	simm.s32 $0x17C00;
	s7 =	sadd.s32 s6, s5;
	s5 =	sadd.s32 $0x100, s1  }
0x12: {  	v0 =	vand.u32 $0x7, v2;
	v2 =	vor.u32 $0x8, v2;
	v1 =	vmul.u32 $0x8, v1;
	s6 =	sadd.s32 $0x200, s1;
	s8 =	sadd.s32 $0x1600, s7;
	s7 =	simm.s32 $0xC400  }
.LBB2_4:
0x13: {  	_ =	swait.ge [sflag:s12], $0xC000  }
0x14: {  	s14 =	rddreg [dreg:$0x6]  }
0x15: {  	s13 =	rddreg [dreg:$0x5];
	s14 =	sadd.s32 $0x1, s14  }
0x16: {  	p0 =	sne.s32 s14, s13  }
.Ltmp1:
0x17: {  	_ = 	snop;
	(pc) =	sbr.rel @!p0 .LBB2_5-.Ltmp1, $3  }
0x18: {  	_ =	sdelay $0x1  }
0x19: {  	[sflag:s12] =	ssyncset.done $0x0  }
0x1a: {  	[sflag:s12] =	ssyncadd.s32 $0xFFFF4000  }
.LBB2_1:
0x1b: {  	[dreg:$0x6] =	wrdreg s14  }
0x1c: {  	s13 =	rddreg [dreg:$0x4];
	s14 =	simm.s32 $0x5  }
0x1d: {  	[tilespmem:s3], [sflag:$0x5] =	stream.linear.gather [hbm4b:s13+s3], $0x400, $0x38;
	[tilespmem:$0x18400] =	vst v63  }
0x1e: {  	_ =	swait.ge [sflag:s14], $0x400  }
0x1f: {  	[sflag:s14] =	ssyncset.done $0x0  }
0x20: {  	[sflag:s14] =	ssyncadd.s32 $0xFFFFFC00  }
0x21: {  	v3 =	vld [tilespmem:$0x0];
	_ =	sdelay $0x4  }
0x22: {  	v4 =	vshrl.u32 v3, $0x3  }
0x23: {  	v4 =	vmul.u32 $0x30, v4  }
0x24: {  	v3 =	vand.u32 $0x7, v3  }
0x25: {  	v3 =	vor.u32 v3, v4  }
0x26: {  	v4 =	vperm.xlane v3, v0;
	_ =	sdelay $0x1  }
0x27: {  	v4 =	vadd.s32 v1, v4;
	_ =	sdelay $0x3  }
0x28: {  	v3 =	vperm.xlane v3, v2  }
0x29: {  	[tilespmem:s10], [sflag:$0x1] =	stream.indirect_vreg.gather [hbm4b:s1+s3], $0x80, v4, vm0, $0xb8;
	[tilespmem:$0x18400] =	vst v63  }
0x2a: {  	s15 =	simm.s32 $0xC00;
	v3 =	vadd.s32 v1, v3  }
0x2b: {  	[tilespmem:s15], [sflag:$0x1] =	stream.indirect_vreg.gather [hbm4b:s5+s3], $0x80, v4, vm0, $0xb8;
	[tilespmem:$0x18400] =	vst v63  }
0x2c: {  	s14 =	simm.s32 $0x1400  }
0x2d: {  	[tilespmem:s14], [sflag:$0x1] =	stream.indirect_vreg.gather [hbm4b:s6+s3], $0x80, v4, vm0, $0xb8;
	[tilespmem:$0x18400] =	vst v63  }
0x2e: {  	s15 =	simm.s32 $0x1C00  }
0x2f: {  	[tilespmem:s15], [sflag:$0x1] =	stream.indirect_vreg.gather [hbm4b:s1+s3], $0x80, v3, vm0, $0xb8;
	[tilespmem:$0x18400] =	vst v63  }
0x30: {  	s14 =	simm.s32 $0x2400  }
0x31: {  	[tilespmem:s14], [sflag:$0x1] =	stream.indirect_vreg.gather [hbm4b:s5+s3], $0x80, v3, vm0, $0xb8;
	[tilespmem:$0x18400] =	vst v63  }
0x32: {  	s15 =	simm.s32 $0x2C00  }
0x33: {  	[tilespmem:s15], [sflag:$0x1] =	stream.indirect_vreg.gather [hbm4b:s6+s3], $0x80, v3, vm0, $0xb8;
	[tilespmem:$0x18400] =	vst v63  }
0x34: {  	v3 =	vld [tilespmem:$0x10];
	_ =	sdelay $0x4  }
0x35: {  	v57 =	vshrl.u32 v3, $0x3  }
0x36: {  	v4 =	vmul.u32 $0x30, v57  }
0x37: {  	v3 =	vand.u32 $0x7, v3  }
0x38: {  	v3 =	vor.u32 v3, v4  }
0x39: {  	v4 =	vperm.xlane v3, v0;
	_ =	sdelay $0x1  }
0x3a: {  	v4 =	vadd.s32 v1, v4;
	_ =	sdelay $0x3  }
0x3b: {  	s14 =	simm.s32 $0x3400;
	v3 =	vperm.xlane v3, v2  }
0x3c: {  	[tilespmem:s14], [sflag:$0x1] =	stream.indirect_vreg.gather [hbm4b:s1+s3], $0x80, v4, vm0, $0xb8;
	[tilespmem:$0x18400] =	vst v63  }
0x3d: {  	s15 =	simm.s32 $0x3C00;
	v3 =	vadd.s32 v1, v3  }
0x3e: {  	[tilespmem:s15], [sflag:$0x1] =	stream.indirect_vreg.gather [hbm4b:s5+s3], $0x80, v4, vm0, $0xb8;
	[tilespmem:$0x18400] =	vst v63  }
0x3f: {  	s14 =	simm.s32 $0x4400  }
0x40: {  	[tilespmem:s14], [sflag:$0x1] =	stream.indirect_vreg.gather [hbm4b:s6+s3], $0x80, v4, vm0, $0xb8;
	[tilespmem:$0x18400] =	vst v63  }
0x41: {  	s15 =	simm.s32 $0x4C00  }
0x42: {  	[tilespmem:s15], [sflag:$0x1] =	stream.indirect_vreg.gather [hbm4b:s1+s3], $0x80, v3, vm0, $0xb8;
	[tilespmem:$0x18400] =	vst v63  }
0x43: {  	s14 =	simm.s32 $0x5400  }
0x44: {  	[tilespmem:s14], [sflag:$0x1] =	stream.indirect_vreg.gather [hbm4b:s5+s3], $0x80, v3, vm0, $0xb8;
	[tilespmem:$0x18400] =	vst v63  }
0x45: {  	s15 =	simm.s32 $0x5C00  }
0x46: {  	[tilespmem:s15], [sflag:$0x1] =	stream.indirect_vreg.gather [hbm4b:s6+s3], $0x80, v3, vm0, $0xb8;
	[tilespmem:$0x18400] =	vst v63  }
0x47: {  	v3 =	vld [tilespmem:$0x20];
	_ =	sdelay $0x4  }
0x48: {  	v58 =	vshrl.u32 v3, $0x3  }
0x49: {  	v4 =	vmul.u32 $0x30, v58  }
0x4a: {  	v3 =	vand.u32 $0x7, v3  }
0x4b: {  	v3 =	vor.u32 v3, v4  }
0x4c: {  	v4 =	vperm.xlane v3, v0;
	_ =	sdelay $0x1  }
0x4d: {  	v4 =	vadd.s32 v1, v4;
	_ =	sdelay $0x3  }
0x4e: {  	s14 =	simm.s32 $0x6400;
	v3 =	vperm.xlane v3, v2  }
0x4f: {  	[tilespmem:s14], [sflag:$0x1] =	stream.indirect_vreg.gather [hbm4b:s1+s3], $0x80, v4, vm0, $0xb8;
	[tilespmem:$0x18400] =	vst v63  }
0x50: {  	s15 =	simm.s32 $0x6C00;
	v3 =	vadd.s32 v1, v3  }
0x51: {  	[tilespmem:s15], [sflag:$0x1] =	stream.indirect_vreg.gather [hbm4b:s5+s3], $0x80, v4, vm0, $0xb8;
	[tilespmem:$0x18400] =	vst v63  }
0x52: {  	s14 =	simm.s32 $0x7400  }
0x53: {  	[tilespmem:s14], [sflag:$0x1] =	stream.indirect_vreg.gather [hbm4b:s6+s3], $0x80, v4, vm0, $0xb8;
	[tilespmem:$0x18400] =	vst v63  }
0x54: {  	s15 =	simm.s32 $0x7C00  }
0x55: {  	[tilespmem:s15], [sflag:$0x1] =	stream.indirect_vreg.gather [hbm4b:s1+s3], $0x80, v3, vm0, $0xb8;
	[tilespmem:$0x18400] =	vst v63  }
0x56: {  	s14 =	simm.s32 $0x8400  }
0x57: {  	[tilespmem:s14], [sflag:$0x1] =	stream.indirect_vreg.gather [hbm4b:s5+s3], $0x80, v3, vm0, $0xb8;
	[tilespmem:$0x18400] =	vst v63  }
0x58: {  	s15 =	simm.s32 $0x8C00  }
0x59: {  	[tilespmem:s15], [sflag:$0x1] =	stream.indirect_vreg.gather [hbm4b:s6+s3], $0x80, v3, vm0, $0xb8;
	[tilespmem:$0x18400] =	vst v63  }
0x5a: {  	v3 =	vld [tilespmem:$0x30];
	_ =	sdelay $0x4  }
0x5b: {  	v59 =	vshrl.u32 v3, $0x3  }
0x5c: {  	v4 =	vmul.u32 $0x30, v59  }
0x5d: {  	v3 =	vand.u32 $0x7, v3  }
0x5e: {  	v3 =	vor.u32 v3, v4  }
0x5f: {  	v4 =	vperm.xlane v3, v0;
	_ =	sdelay $0x1  }
0x60: {  	v4 =	vadd.s32 v1, v4;
	_ =	sdelay $0x3  }
0x61: {  	s14 =	simm.s32 $0x9400;
	v3 =	vperm.xlane v3, v2  }
0x62: {  	[tilespmem:s14], [sflag:$0x1] =	stream.indirect_vreg.gather [hbm4b:s1+s3], $0x80, v4, vm0, $0xb8;
	[tilespmem:$0x18400] =	vst v63  }
0x63: {  	s15 =	simm.s32 $0x9C00;
	v3 =	vadd.s32 v1, v3  }
0x64: {  	[tilespmem:s15], [sflag:$0x1] =	stream.indirect_vreg.gather [hbm4b:s5+s3], $0x80, v4, vm0, $0xb8;
	[tilespmem:$0x18400] =	vst v63  }
0x65: {  	s14 =	simm.s32 $0xA400  }
0x66: {  	[tilespmem:s14], [sflag:$0x1] =	stream.indirect_vreg.gather [hbm4b:s6+s3], $0x80, v4, vm0, $0xb8;
	[tilespmem:$0x18400] =	vst v63  }
0x67: {  	s15 =	simm.s32 $0xAC00  }
0x68: {  	[tilespmem:s15], [sflag:$0x1] =	stream.indirect_vreg.gather [hbm4b:s1+s3], $0x80, v3, vm0, $0xb8;
	[tilespmem:$0x18400] =	vst v63  }
0x69: {  	s14 =	simm.s32 $0xB400  }
0x6a: {  	[tilespmem:s14], [sflag:$0x1] =	stream.indirect_vreg.gather [hbm4b:s5+s3], $0x80, v3, vm0, $0xb8;
	[tilespmem:$0x18400] =	vst v63  }
0x6b: {  	s15 =	simm.s32 $0xBC00  }
0x6c: {  	[tilespmem:s15], [sflag:$0x1] =	stream.indirect_vreg.gather [hbm4b:s6+s3], $0x80, v3, vm0, $0xb8;
	[tilespmem:$0x18400] =	vst v63  }
0x6d: {  	v3 =	vld [tilespmem:$0x40];
	_ =	sdelay $0x4  }
0x6e: {  	v60 =	vshrl.u32 v3, $0x3  }
0x6f: {  	v4 =	vmul.u32 $0x30, v60  }
0x70: {  	v3 =	vand.u32 $0x7, v3  }
0x71: {  	v3 =	vor.u32 v3, v4  }
0x72: {  	v4 =	vperm.xlane v3, v0;
	_ =	sdelay $0x1  }
0x73: {  	v4 =	vadd.s32 v1, v4;
	_ =	sdelay $0x3  }
0x74: {  	v3 =	vperm.xlane v3, v2  }
0x75: {  	[tilespmem:s7], [sflag:$0x2] =	stream.indirect_vreg.gather [hbm4b:s1+s3], $0x80, v4, vm0, $0xb8;
	[tilespmem:$0x18400] =	vst v63  }
0x76: {  	s14 =	simm.s32 $0xCC00;
	v3 =	vadd.s32 v1, v3  }
0x77: {  	[tilespmem:s14], [sflag:$0x2] =	stream.indirect_vreg.gather [hbm4b:s5+s3], $0x80, v4, vm0, $0xb8;
	[tilespmem:$0x18400] =	vst v63  }
0x78: {  	s15 =	simm.s32 $0xD400  }
0x79: {  	[tilespmem:s15], [sflag:$0x2] =	stream.indirect_vreg.gather [hbm4b:s6+s3], $0x80, v4, vm0, $0xb8;
	[tilespmem:$0x18400] =	vst v63  }
0x7a: {  	s14 =	simm.s32 $0xDC00  }
0x7b: {  	[tilespmem:s14], [sflag:$0x2] =	stream.indirect_vreg.gather [hbm4b:s1+s3], $0x80, v3, vm0, $0xb8;
	[tilespmem:$0x18400] =	vst v63  }
0x7c: {  	s15 =	simm.s32 $0xE400  }
0x7d: {  	[tilespmem:s15], [sflag:$0x2] =	stream.indirect_vreg.gather [hbm4b:s5+s3], $0x80, v3, vm0, $0xb8;
	[tilespmem:$0x18400] =	vst v63  }
0x7e: {  	s14 =	simm.s32 $0xEC00  }
0x7f: {  	[tilespmem:s14], [sflag:$0x2] =	stream.indirect_vreg.gather [hbm4b:s6+s3], $0x80, v3, vm0, $0xb8;
	[tilespmem:$0x18400] =	vst v63  }
0x80: {  	v3 =	vld [tilespmem:$0x50];
	_ =	sdelay $0x4  }
0x81: {  	v61 =	vshrl.u32 v3, $0x3  }
0x82: {  	v4 =	vmul.u32 $0x30, v61  }
0x83: {  	v3 =	vand.u32 $0x7, v3  }
0x84: {  	v3 =	vor.u32 v3, v4  }
0x85: {  	v4 =	vperm.xlane v3, v0;
	_ =	sdelay $0x1  }
0x86: {  	v4 =	vadd.s32 v1, v4;
	_ =	sdelay $0x3  }
0x87: {  	s15 =	simm.s32 $0xF400;
	v3 =	vperm.xlane v3, v2  }
0x88: {  	[tilespmem:s15], [sflag:$0x2] =	stream.indirect_vreg.gather [hbm4b:s1+s3], $0x80, v4, vm0, $0xb8;
	[tilespmem:$0x18400] =	vst v63  }
0x89: {  	v3 =	vadd.s32 v1, v3  }
0x8a: {  	[tilespmem:s16], [sflag:$0x2] =	stream.indirect_vreg.gather [hbm4b:s5+s3], $0x80, v4, vm0, $0xb8;
	[tilespmem:$0x18400] =	vst v63  }
0x8b: {  	_ = 	snop  }
0x8c: {  	[tilespmem:s17], [sflag:$0x2] =	stream.indirect_vreg.gather [hbm4b:s6+s3], $0x80, v4, vm0, $0xb8;
	[tilespmem:$0x18400] =	vst v63  }
0x8d: {  	_ = 	snop  }
0x8e: {  	[tilespmem:s18], [sflag:$0x2] =	stream.indirect_vreg.gather [hbm4b:s1+s3], $0x80, v3, vm0, $0xb8;
	[tilespmem:$0x18400] =	vst v63  }
0x8f: {  	_ = 	snop  }
0x90: {  	[tilespmem:s19], [sflag:$0x2] =	stream.indirect_vreg.gather [hbm4b:s5+s3], $0x80, v3, vm0, $0xb8;
	[tilespmem:$0x18400] =	vst v63  }
0x91: {  	_ = 	snop  }
0x92: {  	[tilespmem:s20], [sflag:$0x2] =	stream.indirect_vreg.gather [hbm4b:s6+s3], $0x80, v3, vm0, $0xb8;
	[tilespmem:$0x18400] =	vst v63  }
0x93: {  	v3 =	vld [tilespmem:$0x60];
	_ =	sdelay $0x4  }
0x94: {  	v62 =	vshrl.u32 v3, $0x3  }
0x95: {  	v4 =	vmul.u32 $0x30, v62  }
0x96: {  	v3 =	vand.u32 $0x7, v3  }
0x97: {  	v3 =	vor.u32 v3, v4  }
0x98: {  	v4 =	vperm.xlane v3, v0;
	_ =	sdelay $0x1  }
0x99: {  	v4 =	vadd.s32 v1, v4;
	_ =	sdelay $0x3  }
0x9a: {  	v3 =	vperm.xlane v3, v2  }
0x9b: {  	[tilespmem:s21], [sflag:$0x2] =	stream.indirect_vreg.gather [hbm4b:s1+s3], $0x80, v4, vm0, $0xb8;
	[tilespmem:$0x18400] =	vst v63  }
0x9c: {  	v3 =	vadd.s32 v1, v3  }
0x9d: {  	[tilespmem:s22], [sflag:$0x2] =	stream.indirect_vreg.gather [hbm4b:s5+s3], $0x80, v4, vm0, $0xb8;
	[tilespmem:$0x18400] =	vst v63  }
0x9e: {  	_ = 	snop  }
0x9f: {  	[tilespmem:s23], [sflag:$0x2] =	stream.indirect_vreg.gather [hbm4b:s6+s3], $0x80, v4, vm0, $0xb8;
	[tilespmem:$0x18400] =	vst v63  }
0xa0: {  	_ = 	snop  }
0xa1: {  	[tilespmem:s24], [sflag:$0x2] =	stream.indirect_vreg.gather [hbm4b:s1+s3], $0x80, v3, vm0, $0xb8;
	[tilespmem:$0x18400] =	vst v63  }
0xa2: {  	_ = 	snop  }
0xa3: {  	[tilespmem:s25], [sflag:$0x2] =	stream.indirect_vreg.gather [hbm4b:s5+s3], $0x80, v3, vm0, $0xb8;
	[tilespmem:$0x18400] =	vst v63  }
0xa4: {  	_ = 	snop  }
0xa5: {  	[tilespmem:s26], [sflag:$0x2] =	stream.indirect_vreg.gather [hbm4b:s6+s3], $0x80, v3, vm0, $0xb8;
	[tilespmem:$0x18400] =	vst v63  }
0xa6: {  	v3 =	vld [tilespmem:$0x70];
	_ =	sdelay $0x4  }
0xa7: {  	v63 =	vshrl.u32 v3, $0x3  }
0xa8: {  	v4 =	vmul.u32 $0x30, v63  }
0xa9: {  	v3 =	vand.u32 $0x7, v3  }
0xaa: {  	v3 =	vor.u32 v3, v4  }
0xab: {  	v4 =	vperm.xlane v3, v0;
	_ =	sdelay $0x1  }
0xac: {  	v4 =	vadd.s32 v1, v4;
	_ =	sdelay $0x3  }
0xad: {  	v3 =	vperm.xlane v3, v2  }
0xae: {  	[tilespmem:s28], [sflag:$0x2] =	stream.indirect_vreg.gather [hbm4b:s1+s3], $0x80, v4, vm0, $0xb8;
	[tilespmem:$0x18400] =	vst v63  }
0xaf: {  	v3 =	vadd.s32 v1, v3  }
0xb0: {  	[tilespmem:s29], [sflag:$0x2] =	stream.indirect_vreg.gather [hbm4b:s5+s3], $0x80, v4, vm0, $0xb8;
	[tilespmem:$0x18400] =	vst v63  }
0xb1: {  	_ = 	snop  }
0xb2: {  	[tilespmem:s30], [sflag:$0x2] =	stream.indirect_vreg.gather [hbm4b:s6+s3], $0x80, v4, vm0, $0xb8;
	[tilespmem:$0x18400] =	vst v63  }
0xb3: {  	_ = 	snop  }
0xb4: {  	[tilespmem:s31], [sflag:$0x2] =	stream.indirect_vreg.gather [hbm4b:s1+s3], $0x80, v3, vm0, $0xb8;
	[tilespmem:$0x18400] =	vst v63  }
0xb5: {  	_ = 	snop  }
0xb6: {  	[tilespmem:s2], [sflag:$0x2] =	stream.indirect_vreg.gather [hbm4b:s5+s3], $0x80, v3, vm0, $0xb8;
	[tilespmem:$0x18400] =	vst v63  }
0xb7: {  	s13 =	simm.s32 $0xF0;
	s14 =	simm.s32 $0x0  }
0xb8: {  	[tilespmem:s0], [sflag:$0x2] =	stream.indirect_vreg.gather [hbm4b:s6+s3], $0x80, v3, vm0, $0xb8;
	[tilespmem:$0x18400] =	vst v63  }
.LBB2_2:
0xb9: {  	_ =	swait.ge [sflag:s4], $0xC000  }
0xba: {  	[sflag:s4] =	ssyncset.done $0x0  }
0xbb: {  	s15 =	sadd.s32 s14, s8;
	[sflag:s4] =	ssyncadd.s32 $0xFFFF4000  }
0xbc: {  	[hbm4b:s15+s3] =	stream.linear.scatter [tilespmem:s10], [sflag:$0x3], $0xC000, $0x38;
	[tilespmem:$0x18400] =	vst v63  }
0xbd: {  	_ =	swait.ge [sflag:s9], $0xC000  }
0xbe: {  	p0 =	seq.s32 s14, $0x15000;
	[sflag:s9] =	ssyncset.done $0x0  }
.Ltmp2:
0xbf: {  	s15 =	sadd.s32 $0x1800, s15;
	[sflag:s9] =	ssyncadd.s32 $0xFFFF4000;
	(pc) =	sbr.rel @p0 .LBB2_4-.Ltmp2, $4  }
0xc0: {  	[hbm4b:s15+s3] =	stream.linear.scatter [tilespmem:s7], [sflag:$0x4], $0xC000, $0x38;
	[tilespmem:$0x18400] =	vst v63  }
0xc1: {  	_ =	swait.ge [sflag:s11], $0xC000  }
0xc2: {  	[sflag:s11] =	ssyncset.done $0x0  }
0xc3: {  	[sflag:s11] =	ssyncadd.s32 $0xFFFF4000  }
0xc4: {  	v3 =	vld [tilespmem:s13+$0xFFFFFF90];
	_ =	sdelay $0x4  }
0xc5: {  	v4 =	vshrl.u32 v3, $0x3  }
0xc6: {  	v4 =	vmul.u32 $0x30, v4  }
0xc7: {  	v3 =	vand.u32 $0x7, v3  }
0xc8: {  	v3 =	vor.u32 v3, v4  }
0xc9: {  	v4 =	vperm.xlane v3, v0;
	_ =	sdelay $0x1  }
0xca: {  	v4 =	vadd.s32 v1, v4;
	_ =	sdelay $0x3  }
0xcb: {  	v3 =	vperm.xlane v3, v2  }
0xcc: {  	[tilespmem:s10], [sflag:$0x1] =	stream.indirect_vreg.gather [hbm4b:s1+s3], $0x80, v4, vm0, $0xb8;
	[tilespmem:$0x18400] =	vst v63  }
0xcd: {  	s15 =	simm.s32 $0xC00;
	v3 =	vadd.s32 v1, v3  }
0xce: {  	[tilespmem:s15], [sflag:$0x1] =	stream.indirect_vreg.gather [hbm4b:s5+s3], $0x80, v4, vm0, $0xb8;
	[tilespmem:$0x18400] =	vst v63  }
0xcf: {  	s15 =	simm.s32 $0x1400  }
0xd0: {  	[tilespmem:s15], [sflag:$0x1] =	stream.indirect_vreg.gather [hbm4b:s6+s3], $0x80, v4, vm0, $0xb8;
	[tilespmem:$0x18400] =	vst v63  }
0xd1: {  	s15 =	simm.s32 $0x1C00  }
0xd2: {  	[tilespmem:s15], [sflag:$0x1] =	stream.indirect_vreg.gather [hbm4b:s1+s3], $0x80, v3, vm0, $0xb8;
	[tilespmem:$0x18400] =	vst v63  }
0xd3: {  	s15 =	simm.s32 $0x2400  }
0xd4: {  	[tilespmem:s15], [sflag:$0x1] =	stream.indirect_vreg.gather [hbm4b:s5+s3], $0x80, v3, vm0, $0xb8;
	[tilespmem:$0x18400] =	vst v63  }
0xd5: {  	s15 =	simm.s32 $0x2C00  }
0xd6: {  	[tilespmem:s15], [sflag:$0x1] =	stream.indirect_vreg.gather [hbm4b:s6+s3], $0x80, v3, vm0, $0xb8;
	[tilespmem:$0x18400] =	vst v63  }
0xd7: {  	v3 =	vld [tilespmem:s13+$0xFFFFFFA0];
	_ =	sdelay $0x4  }
0xd8: {  	v57 =	vshrl.u32 v3, $0x3  }
0xd9: {  	v4 =	vmul.u32 $0x30, v57  }
0xda: {  	v3 =	vand.u32 $0x7, v3  }
0xdb: {  	v3 =	vor.u32 v3, v4  }
0xdc: {  	v4 =	vperm.xlane v3, v0;
	_ =	sdelay $0x1  }
0xdd: {  	v4 =	vadd.s32 v1, v4;
	_ =	sdelay $0x3  }
0xde: {  	s15 =	simm.s32 $0x3400;
	v3 =	vperm.xlane v3, v2  }
0xdf: {  	[tilespmem:s15], [sflag:$0x1] =	stream.indirect_vreg.gather [hbm4b:s1+s3], $0x80, v4, vm0, $0xb8;
	[tilespmem:$0x18400] =	vst v63  }
0xe0: {  	v3 =	vadd.s32 v1, v3;
	s15 =	simm.s32 $0x3C00  }
0xe1: {  	[tilespmem:s15], [sflag:$0x1] =	stream.indirect_vreg.gather [hbm4b:s5+s3], $0x80, v4, vm0, $0xb8;
	[tilespmem:$0x18400] =	vst v63  }
0xe2: {  	s15 =	simm.s32 $0x4400  }
0xe3: {  	[tilespmem:s15], [sflag:$0x1] =	stream.indirect_vreg.gather [hbm4b:s6+s3], $0x80, v4, vm0, $0xb8;
	[tilespmem:$0x18400] =	vst v63  }
0xe4: {  	s15 =	simm.s32 $0x4C00  }
0xe5: {  	[tilespmem:s15], [sflag:$0x1] =	stream.indirect_vreg.gather [hbm4b:s1+s3], $0x80, v3, vm0, $0xb8;
	[tilespmem:$0x18400] =	vst v63  }
0xe6: {  	s15 =	simm.s32 $0x5400  }
0xe7: {  	[tilespmem:s15], [sflag:$0x1] =	stream.indirect_vreg.gather [hbm4b:s5+s3], $0x80, v3, vm0, $0xb8;
	[tilespmem:$0x18400] =	vst v63  }
0xe8: {  	s15 =	simm.s32 $0x5C00  }
0xe9: {  	[tilespmem:s15], [sflag:$0x1] =	stream.indirect_vreg.gather [hbm4b:s6+s3], $0x80, v3, vm0, $0xb8;
	[tilespmem:$0x18400] =	vst v63  }
0xea: {  	v3 =	vld [tilespmem:s13+$0xFFFFFFB0];
	_ =	sdelay $0x4  }
0xeb: {  	v58 =	vshrl.u32 v3, $0x3  }
0xec: {  	v4 =	vmul.u32 $0x30, v58  }
0xed: {  	v3 =	vand.u32 $0x7, v3  }
0xee: {  	v3 =	vor.u32 v3, v4  }
0xef: {  	v4 =	vperm.xlane v3, v0;
	_ =	sdelay $0x1  }
0xf0: {  	v4 =	vadd.s32 v1, v4;
	_ =	sdelay $0x3  }
0xf1: {  	s15 =	simm.s32 $0x6400;
	v3 =	vperm.xlane v3, v2  }
0xf2: {  	[tilespmem:s15], [sflag:$0x1] =	stream.indirect_vreg.gather [hbm4b:s1+s3], $0x80, v4, vm0, $0xb8;
	[tilespmem:$0x18400] =	vst v63  }
0xf3: {  	v3 =	vadd.s32 v1, v3;
	s15 =	simm.s32 $0x6C00  }
0xf4: {  	[tilespmem:s15], [sflag:$0x1] =	stream.indirect_vreg.gather [hbm4b:s5+s3], $0x80, v4, vm0, $0xb8;
	[tilespmem:$0x18400] =	vst v63  }
0xf5: {  	s15 =	simm.s32 $0x7400  }
0xf6: {  	[tilespmem:s15], [sflag:$0x1] =	stream.indirect_vreg.gather [hbm4b:s6+s3], $0x80, v4, vm0, $0xb8;
	[tilespmem:$0x18400] =	vst v63  }
0xf7: {  	s15 =	simm.s32 $0x7C00  }
0xf8: {  	[tilespmem:s15], [sflag:$0x1] =	stream.indirect_vreg.gather [hbm4b:s1+s3], $0x80, v3, vm0, $0xb8;
	[tilespmem:$0x18400] =	vst v63  }
0xf9: {  	s15 =	simm.s32 $0x8400  }
0xfa: {  	[tilespmem:s15], [sflag:$0x1] =	stream.indirect_vreg.gather [hbm4b:s5+s3], $0x80, v3, vm0, $0xb8;
	[tilespmem:$0x18400] =	vst v63  }
0xfb: {  	s15 =	simm.s32 $0x8C00  }
0xfc: {  	[tilespmem:s15], [sflag:$0x1] =	stream.indirect_vreg.gather [hbm4b:s6+s3], $0x80, v3, vm0, $0xb8;
	[tilespmem:$0x18400] =	vst v63  }
0xfd: {  	v3 =	vld [tilespmem:s13+$0xFFFFFFC0];
	_ =	sdelay $0x4  }
0xfe: {  	v59 =	vshrl.u32 v3, $0x3  }
0xff: {  	v4 =	vmul.u32 $0x30, v59  }
0x100: {  	v3 =	vand.u32 $0x7, v3  }
0x101: {  	v3 =	vor.u32 v3, v4  }
0x102: {  	v4 =	vperm.xlane v3, v0;
	_ =	sdelay $0x1  }
0x103: {  	v4 =	vadd.s32 v1, v4;
	_ =	sdelay $0x3  }
0x104: {  	s15 =	simm.s32 $0x9400;
	v3 =	vperm.xlane v3, v2  }
0x105: {  	[tilespmem:s15], [sflag:$0x1] =	stream.indirect_vreg.gather [hbm4b:s1+s3], $0x80, v4, vm0, $0xb8;
	[tilespmem:$0x18400] =	vst v63  }
0x106: {  	v3 =	vadd.s32 v1, v3;
	s15 =	simm.s32 $0x9C00  }
0x107: {  	[tilespmem:s15], [sflag:$0x1] =	stream.indirect_vreg.gather [hbm4b:s5+s3], $0x80, v4, vm0, $0xb8;
	[tilespmem:$0x18400] =	vst v63  }
0x108: {  	s15 =	simm.s32 $0xA400  }
0x109: {  	[tilespmem:s15], [sflag:$0x1] =	stream.indirect_vreg.gather [hbm4b:s6+s3], $0x80, v4, vm0, $0xb8;
	[tilespmem:$0x18400] =	vst v63  }
0x10a: {  	s15 =	simm.s32 $0xAC00  }
0x10b: {  	[tilespmem:s15], [sflag:$0x1] =	stream.indirect_vreg.gather [hbm4b:s1+s3], $0x80, v3, vm0, $0xb8;
	[tilespmem:$0x18400] =	vst v63  }
0x10c: {  	s15 =	simm.s32 $0xB400  }
0x10d: {  	[tilespmem:s15], [sflag:$0x1] =	stream.indirect_vreg.gather [hbm4b:s5+s3], $0x80, v3, vm0, $0xb8;
	[tilespmem:$0x18400] =	vst v63  }
0x10e: {  	s15 =	simm.s32 $0xBC00  }
0x10f: {  	[tilespmem:s15], [sflag:$0x1] =	stream.indirect_vreg.gather [hbm4b:s6+s3], $0x80, v3, vm0, $0xb8;
	[tilespmem:$0x18400] =	vst v63  }
0x110: {  	_ =	swait.ge [sflag:s12], $0xC000  }
0x111: {  	[sflag:s12] =	ssyncset.done $0x0  }
0x112: {  	[sflag:s12] =	ssyncadd.s32 $0xFFFF4000  }
0x113: {  	v3 =	vld [tilespmem:s13+$0xFFFFFFD0];
	_ =	sdelay $0x4  }
0x114: {  	v60 =	vshrl.u32 v3, $0x3  }
0x115: {  	v4 =	vmul.u32 $0x30, v60  }
0x116: {  	v3 =	vand.u32 $0x7, v3  }
0x117: {  	v3 =	vor.u32 v3, v4  }
0x118: {  	v4 =	vperm.xlane v3, v0;
	_ =	sdelay $0x1  }
0x119: {  	v4 =	vadd.s32 v1, v4;
	_ =	sdelay $0x3  }
0x11a: {  	v3 =	vperm.xlane v3, v2  }
0x11b: {  	[tilespmem:s7], [sflag:$0x2] =	stream.indirect_vreg.gather [hbm4b:s1+s3], $0x80, v4, vm0, $0xb8;
	[tilespmem:$0x18400] =	vst v63  }
0x11c: {  	s15 =	simm.s32 $0xCC00;
	v3 =	vadd.s32 v1, v3  }
0x11d: {  	[tilespmem:s15], [sflag:$0x2] =	stream.indirect_vreg.gather [hbm4b:s5+s3], $0x80, v4, vm0, $0xb8;
	[tilespmem:$0x18400] =	vst v63  }
0x11e: {  	s15 =	simm.s32 $0xD400  }
0x11f: {  	[tilespmem:s15], [sflag:$0x2] =	stream.indirect_vreg.gather [hbm4b:s6+s3], $0x80, v4, vm0, $0xb8;
	[tilespmem:$0x18400] =	vst v63  }
0x120: {  	s15 =	simm.s32 $0xDC00  }
0x121: {  	[tilespmem:s15], [sflag:$0x2] =	stream.indirect_vreg.gather [hbm4b:s1+s3], $0x80, v3, vm0, $0xb8;
	[tilespmem:$0x18400] =	vst v63  }
0x122: {  	s15 =	simm.s32 $0xE400  }
0x123: {  	[tilespmem:s15], [sflag:$0x2] =	stream.indirect_vreg.gather [hbm4b:s5+s3], $0x80, v3, vm0, $0xb8;
	[tilespmem:$0x18400] =	vst v63  }
0x124: {  	s15 =	simm.s32 $0xEC00  }
0x125: {  	[tilespmem:s15], [sflag:$0x2] =	stream.indirect_vreg.gather [hbm4b:s6+s3], $0x80, v3, vm0, $0xb8;
	[tilespmem:$0x18400] =	vst v63  }
0x126: {  	v3 =	vld [tilespmem:s13+$0xFFFFFFE0];
	_ =	sdelay $0x4  }
0x127: {  	v61 =	vshrl.u32 v3, $0x3  }
0x128: {  	v4 =	vmul.u32 $0x30, v61  }
0x129: {  	v3 =	vand.u32 $0x7, v3  }
0x12a: {  	v3 =	vor.u32 v3, v4  }
0x12b: {  	v4 =	vperm.xlane v3, v0;
	_ =	sdelay $0x1  }
0x12c: {  	v4 =	vadd.s32 v1, v4;
	_ =	sdelay $0x3  }
0x12d: {  	s15 =	simm.s32 $0xF400;
	v3 =	vperm.xlane v3, v2  }
0x12e: {  	[tilespmem:s15], [sflag:$0x2] =	stream.indirect_vreg.gather [hbm4b:s1+s3], $0x80, v4, vm0, $0xb8;
	[tilespmem:$0x18400] =	vst v63  }
0x12f: {  	v3 =	vadd.s32 v1, v3  }
0x130: {  	[tilespmem:s16], [sflag:$0x2] =	stream.indirect_vreg.gather [hbm4b:s5+s3], $0x80, v4, vm0, $0xb8;
	[tilespmem:$0x18400] =	vst v63  }
0x131: {  	_ = 	snop  }
0x132: {  	[tilespmem:s17], [sflag:$0x2] =	stream.indirect_vreg.gather [hbm4b:s6+s3], $0x80, v4, vm0, $0xb8;
	[tilespmem:$0x18400] =	vst v63  }
0x133: {  	_ = 	snop  }
0x134: {  	[tilespmem:s18], [sflag:$0x2] =	stream.indirect_vreg.gather [hbm4b:s1+s3], $0x80, v3, vm0, $0xb8;
	[tilespmem:$0x18400] =	vst v63  }
0x135: {  	_ = 	snop  }
0x136: {  	[tilespmem:s19], [sflag:$0x2] =	stream.indirect_vreg.gather [hbm4b:s5+s3], $0x80, v3, vm0, $0xb8;
	[tilespmem:$0x18400] =	vst v63  }
0x137: {  	_ = 	snop  }
0x138: {  	[tilespmem:s20], [sflag:$0x2] =	stream.indirect_vreg.gather [hbm4b:s6+s3], $0x80, v3, vm0, $0xb8;
	[tilespmem:$0x18400] =	vst v63  }
0x139: {  	v3 =	vld [tilespmem:s13+$0xFFFFFFF0];
	_ =	sdelay $0x4  }
0x13a: {  	v62 =	vshrl.u32 v3, $0x3  }
0x13b: {  	v4 =	vmul.u32 $0x30, v62  }
0x13c: {  	v3 =	vand.u32 $0x7, v3  }
0x13d: {  	v3 =	vor.u32 v3, v4  }
0x13e: {  	v4 =	vperm.xlane v3, v0;
	_ =	sdelay $0x1  }
0x13f: {  	v4 =	vadd.s32 v1, v4;
	_ =	sdelay $0x3  }
0x140: {  	v3 =	vperm.xlane v3, v2  }
0x141: {  	[tilespmem:s21], [sflag:$0x2] =	stream.indirect_vreg.gather [hbm4b:s1+s3], $0x80, v4, vm0, $0xb8;
	[tilespmem:$0x18400] =	vst v63  }
0x142: {  	v3 =	vadd.s32 v1, v3  }
0x143: {  	[tilespmem:s22], [sflag:$0x2] =	stream.indirect_vreg.gather [hbm4b:s5+s3], $0x80, v4, vm0, $0xb8;
	[tilespmem:$0x18400] =	vst v63  }
0x144: {  	_ = 	snop  }
0x145: {  	[tilespmem:s23], [sflag:$0x2] =	stream.indirect_vreg.gather [hbm4b:s6+s3], $0x80, v4, vm0, $0xb8;
	[tilespmem:$0x18400] =	vst v63  }
0x146: {  	_ = 	snop  }
0x147: {  	[tilespmem:s24], [sflag:$0x2] =	stream.indirect_vreg.gather [hbm4b:s1+s3], $0x80, v3, vm0, $0xb8;
	[tilespmem:$0x18400] =	vst v63  }
0x148: {  	_ = 	snop  }
0x149: {  	[tilespmem:s25], [sflag:$0x2] =	stream.indirect_vreg.gather [hbm4b:s5+s3], $0x80, v3, vm0, $0xb8;
	[tilespmem:$0x18400] =	vst v63  }
0x14a: {  	_ = 	snop  }
0x14b: {  	[tilespmem:s26], [sflag:$0x2] =	stream.indirect_vreg.gather [hbm4b:s6+s3], $0x80, v3, vm0, $0xb8;
	[tilespmem:$0x18400] =	vst v63  }
0x14c: {  	v3 =	vld [tilespmem:s13+$0x0];
	_ =	sdelay $0x4  }
0x14d: {  	v63 =	vshrl.u32 v3, $0x3  }
0x14e: {  	v4 =	vmul.u32 $0x30, v63  }
0x14f: {  	v3 =	vand.u32 $0x7, v3  }
0x150: {  	v3 =	vor.u32 v3, v4  }
0x151: {  	v4 =	vperm.xlane v3, v0;
	_ =	sdelay $0x1  }
0x152: {  	v4 =	vadd.s32 v1, v4;
	_ =	sdelay $0x3  }
0x153: {  	v3 =	vperm.xlane v3, v2  }
0x154: {  	[tilespmem:s28], [sflag:$0x2] =	stream.indirect_vreg.gather [hbm4b:s1+s3], $0x80, v4, vm0, $0xb8;
	[tilespmem:$0x18400] =	vst v63  }
0x155: {  	v3 =	vadd.s32 v1, v3  }
0x156: {  	[tilespmem:s29], [sflag:$0x2] =	stream.indirect_vreg.gather [hbm4b:s5+s3], $0x80, v4, vm0, $0xb8;
	[tilespmem:$0x18400] =	vst v63  }
0x157: {  	_ = 	snop  }
0x158: {  	[tilespmem:s30], [sflag:$0x2] =	stream.indirect_vreg.gather [hbm4b:s6+s3], $0x80, v4, vm0, $0xb8;
	[tilespmem:$0x18400] =	vst v63  }
0x159: {  	_ = 	snop  }
0x15a: {  	[tilespmem:s31], [sflag:$0x2] =	stream.indirect_vreg.gather [hbm4b:s1+s3], $0x80, v3, vm0, $0xb8;
	[tilespmem:$0x18400] =	vst v63  }
.Ltmp3:
0x15b: {  	_ = 	snop;
	(pc) =	sbr.rel .LBB2_2-.Ltmp3, $4  }
0x15c: {  	_ = 	snop  }
0x15d: {  	[tilespmem:s2], [sflag:$0x2] =	stream.indirect_vreg.gather [hbm4b:s5+s3], $0x80, v3, vm0, $0xb8;
	[tilespmem:$0x18400] =	vst v63  }
0x15e: {  	s14 =	sadd.s32 $0x3000, s14;
	s13 =	sadd.s32 $0x80, s13  }
0x15f: {  	[tilespmem:s0], [sflag:$0x2] =	stream.indirect_vreg.gather [hbm4b:s6+s3], $0x80, v3, vm0, $0xb8;
	[tilespmem:$0x18400] =	vst v63  }
.LBB2_5:
0x160: {  	_ =	sfence.sel $0x180000  }
0x161: {  	[bflag:$0x0] =	sbarrier.arrive $0xFFFF  }
0x162: {  	_ =	strace $0x90000047  }
0x163: {  	s0 =	stileid.u32;
	[bflag:$0x2] =	sbarrier.arrive $0xFFFF  }
0x164: {  	p0 =	sne.s32 s0, $0x0;
	s0 =	rddreg [dreg:$0x3]  }
0x165: {  	s0 =	sadd.s32 @!p0 $0x100000, s0  }
0x166: {  	[sflag:s0] =	ssyncadd.tile.s32 @!p0 $0x1;
	_ =	shalt  }
.Lfunc_end2:
_tile_overlayer_lowered:
.L_overlay_start_2:
0x167: {  	(tag) =	ssettag $0x2  }
0x168: {  	s0 =	rddreg [dreg:$0x0];
	s2 =	stileid.u32  }
0x169: {  	s1 =	rddreg [dreg:$0x1];
	p0 =	sne.s32 s2, $0x0  }
0x16a: {  	s3 =	rddreg [dreg:$0x2];
	[bflag:$0x3] =	sbarrier.arrive $0xFFFF;
	s2 =	simm.s32 @!p0 $0x1C05  }
0x16b: {  	[timem:s3], [sflag:s2] =	dma.local @!p0 [hbm:s0], s1  }
0x16c: {  	s0 =	simm.s32 @!p0 $0x5  }
0x16d: {  	_ =	swait.ge @!p0 [sflag:s0], s1  }
0x16e: {  	s1 =	ssub.s32 @!p0 $0x0, s1;
	[sflag:s0] =	ssyncset.done @!p0 $0x0  }
0x16f: {  	[sflag:s0] =	ssyncadd.s32 @!p0 s1  }
0x170: {  	[bflag:$0x3] =	sbarrier.arrive $0xFFFF  }
0x171: {  	_ =	shalt  }

</sc_bundles>
